<compile_context>
chip_gen: v7x
topology: tpu7x:2x2x1
jax: 0.10.2.dev20260603
libtpu: 0.0.44.dev20260713+nightly
codegen_flags: <defaults>
</compile_context>

<pallas_src>
import functools

import jax
import jax.numpy as jnp
from jax import lax
from jax.experimental import pallas as pl
from jax.experimental.pallas import tpu as pltpu
from jax.experimental.pallas import tpu_sc as plsc

SIZE = 1024
LATENT_DIM = 256
BETA_C = 0.25
N_ROWS = 4 * 8 * 32 * 32
TILE = 1024
N_TILES = N_ROWS // TILE
TILES_PER_B = 8192 // TILE

NC, NS, LANES = 2, 16, 16
NW = NC * NS
ROWS_PER_W = N_ROWS // NW
ENC_ELEMS = N_ROWS * SIZE
ZROWS = 64
SCAT = 128
N_SCAT = ROWS_PER_W // SCAT

_sc_mesh = plsc.VectorSubcoreMesh(core_axis_name="c", subcore_axis_name="s")


def _vq_body(zb_ref, emb_ref, zq_ref, idx_ref, loss_ref, perp_ref,
             counts_ref, loss_acc_ref, en_ref):
    t = pl.program_id(0)

    e = emb_ref[...]

    @pl.when(t == 0)
    def _init():
        counts_ref[...] = jnp.zeros_like(counts_ref)
        loss_acc_ref[0] = 0.0
        en_ref[...] = jnp.sum(e * e, axis=1, keepdims=True).T

    zb = zb_ref[0]
    en = en_ref[0]

    ez = jax.lax.dot_general(e, zb, (((1,), (0,)), ((), ())),
                             preferred_element_type=jnp.float32)
    s = en[:, None] - 2.0 * ez

    minv = jnp.min(s, axis=0)
    code_iota = jax.lax.broadcasted_iota(jnp.int32, (SIZE, TILE), 0)
    idx = jnp.min(jnp.where(s == minv[None, :], code_iota, SIZE), axis=0)

    oh_T = (code_iota == idx[None, :]).astype(jnp.float32)
    zqT = jax.lax.dot_general(e, oh_T, (((0,), (0,)), ((), ())),
                              preferred_element_type=jnp.float32)
    zq_ref[0] = zb + (zqT - zb)

    idx_ref[0, 0] = idx

    ones8 = jnp.ones((TILE, 8), jnp.float32)
    counts_ref[...] += jax.lax.dot_general(
        oh_T, ones8, (((1,), (0,)), ((), ())),
        preferred_element_type=jnp.float32)

    zn = jnp.sum(zb * zb, axis=0)
    loss_acc_ref[0] += jnp.sum(zn + minv)

    @pl.when(t == N_TILES - 1)
    def _finish():
        loss_ref[0, 0] = BETA_C * loss_acc_ref[0] / (N_ROWS * LATENT_DIM)
        e_mean = counts_ref[...] / N_ROWS
        ent = jnp.sum(e_mean * jnp.log(e_mean + 1e-10)) / 8.0
        perp_ref[0, 0] = jnp.exp(-ent)


@functools.partial(
    pl.kernel, mesh=_sc_mesh,
    out_type=jax.ShapeDtypeStruct((ENC_ELEMS,), jnp.float32),
    scratch_types=[pltpu.VMEM((ZROWS * SIZE,), jnp.float32)])
def _enc_zero(enc_ref, zbuf):
    w = lax.axis_index("s") * NC + lax.axis_index("c")

    def zb_body(i, c):
        zbuf[pl.ds(i * LANES, LANES)] = jnp.zeros((LANES,), jnp.float32)
        return c
    lax.fori_loop(0, ZROWS * SIZE // LANES, zb_body, 0)

    base = w * ROWS_PER_W * SIZE

    def dma_body(j, c):
        pltpu.sync_copy(zbuf, enc_ref.at[pl.ds(base + j * (ZROWS * SIZE),
                                               ZROWS * SIZE)])
        return c
    lax.fori_loop(0, ROWS_PER_W // ZROWS, dma_body, 0)


@functools.partial(
    pl.kernel, mesh=_sc_mesh,
    scratch_types=[pltpu.VMEM((ROWS_PER_W,), jnp.int32),
                   pltpu.VMEM((N_SCAT, SCAT), jnp.int32),
                   pltpu.VMEM((SCAT,), jnp.float32),
                   pltpu.SemaphoreType.DMA])
def _enc_scatter(idx_hbm, enc_ref, idxv, addrv, onesv, sem):
    w = lax.axis_index("s") * NC + lax.axis_index("c")
    rbase = w * ROWS_PER_W
    pltpu.sync_copy(idx_hbm.at[pl.ds(rbase, ROWS_PER_W)], idxv)

    def ones_body(i, c):
        onesv[pl.ds(i * LANES, LANES)] = jnp.ones((LANES,), jnp.float32)
        return c
    lax.fori_loop(0, SCAT // LANES, ones_body, 0)

    vecs_per_scat = SCAT // LANES

    def addr_body(i, c):
        r0 = i * LANES
        iv = idxv[pl.ds(r0, LANES)]
        lane = lax.iota(jnp.int32, LANES)
        addr = (rbase + r0 + lane) * SIZE + iv
        addrv[i // vecs_per_scat, pl.ds((i % vecs_per_scat) * LANES, LANES)] = addr
        return c
    lax.fori_loop(0, ROWS_PER_W // LANES, addr_body, 0, unroll=vecs_per_scat)

    def scat_body(c, carry):
        pltpu.async_copy(onesv, enc_ref.at[addrv.at[c]], sem).wait()
        return carry
    lax.fori_loop(0, N_SCAT, scat_body, 0)


def kernel(z, embedding_weight):
    z2 = z.reshape(4, 256, 8192)
    zq3, idx3, loss, perp = pl.pallas_call(
        _vq_body,
        grid=(N_TILES,),
        in_specs=[
            pl.BlockSpec((1, 256, TILE), lambda t: (t // TILES_PER_B, 0, t % TILES_PER_B)),
            pl.BlockSpec((SIZE, LATENT_DIM), lambda t: (0, 0)),
        ],
        out_specs=[
            pl.BlockSpec((1, 256, TILE), lambda t: (t // TILES_PER_B, 0, t % TILES_PER_B)),
            pl.BlockSpec((1, 1, TILE), lambda t: (t, 0, 0)),
            pl.BlockSpec((1, 1), lambda t: (0, 0), memory_space=pltpu.SMEM),
            pl.BlockSpec((1, 1), lambda t: (0, 0), memory_space=pltpu.SMEM),
        ],
        out_shape=[
            jax.ShapeDtypeStruct((4, 256, 8192), jnp.float32),
            jax.ShapeDtypeStruct((N_TILES, 1, TILE), jnp.int32),
            jax.ShapeDtypeStruct((1, 1), jnp.float32),
            jax.ShapeDtypeStruct((1, 1), jnp.float32),
        ],
        scratch_shapes=[
            pltpu.VMEM((SIZE, 8), jnp.float32),
            pltpu.SMEM((1,), jnp.float32),
            pltpu.VMEM((1, SIZE), jnp.float32),
        ],
    )(z2, embedding_weight)

    enc_zeroed = _enc_zero()
    enc_ref = jax.new_ref(enc_zeroed)
    _enc_scatter(idx3.reshape(N_ROWS), enc_ref)
    enc = enc_ref[...].reshape(N_ROWS, SIZE)

    z_q_out = zq3.reshape(4, 256, 8, 32, 32)
    min_idx = idx3.reshape(N_ROWS, 1)
    return (z_q_out, loss[0, 0], perp[0, 0], enc, min_idx)

# --- scband reference (transcript-rebuilt; emitter-appended) ---
"""Pipeline reference for scband-codebook-ema-37306085933615 (READ-ONLY COPY).

The authoritative reference and input builder live on the scoring server;
editing this copy changes nothing except your own understanding.
"""

import jax, jax.numpy as jnp
import numpy as np

SIZE = 1024
LATENT_DIM = 256
BETA_C = 0.25


def setup_inputs(seed: int = 0) -> dict:
    key = jax.random.key(seed)
    k1, k2 = jax.random.split(key)
    z = jax.random.normal(k1, (4, 256, 8, 32, 32), dtype=jnp.float32)
    embedding_weight = jax.random.normal(k2, (SIZE, LATENT_DIM), dtype=jnp.float32)
    return {"z": z, "embedding_weight": embedding_weight}


def reference(z, embedding_weight):
    # permute (0,2,3,4,1): [B, C, D, H, W] -> [B, D, H, W, C]
    zp = jnp.transpose(z, (0, 2, 3, 4, 1))
    z_flattened = zp.reshape(-1, LATENT_DIM)
    # squared-distance matrix: ||z||^2 + ||e||^2 - 2 z e^T
    d = (jnp.sum(z_flattened ** 2, axis=1, keepdims=True)
         + jnp.sum(embedding_weight ** 2, axis=1)
         - 2.0 * jnp.matmul(z_flattened, embedding_weight.T))
    min_encoding_indices = jnp.argmin(d, axis=1)
    # scatter_(1, idx, 1) == one-hot
    encodings = jax.nn.one_hot(min_encoding_indices, SIZE, dtype=z_flattened.dtype)
    z_q = jnp.matmul(encodings, embedding_weight).reshape(zp.shape)
    # eval-mode forward (torch EMA branch mutates buffers but does not change returned outputs)
    commitment_loss = jnp.mean((jax.lax.stop_gradient(z_q) - zp) ** 2)
    loss = BETA_C * commitment_loss
    # straight-through estimator
    z_q_st = zp + jax.lax.stop_gradient(z_q - zp)
    z_q_out = jnp.transpose(z_q_st, (0, 4, 1, 2, 3))
    e_mean = jnp.mean(encodings, axis=0)
    perplexity = jnp.exp(-jnp.sum(e_mean * jnp.log(e_mean + 1e-10)))
    return (z_q_out, loss, perplexity, encodings, min_encoding_indices[:, None])

if __name__ == "__main__":
    import jax
    _d = setup_inputs()
    print(jax.jit(kernel)(*tuple(_d.values())))

</pallas_src>

<mosaic_0001>
#map = affine_map<(d0, d1) -> (0)>
module attributes {stable_mosaic.version = 14 : i64} {
  func.func @new_body(%arg0: i32, %arg1: i32, %arg2: memref<32768xi32, #tpu.memory_space<hbm>>, %arg3: memref<33554432xf32, #tpu.memory_space<hbm>>, %arg4: memref<33554432xf32, #tpu.memory_space<hbm>>, %arg5: memref<1024xi32, #tpu.memory_space<vmem>>, %arg6: memref<8x128xi32, #tpu.memory_space<vmem>>, %arg7: memref<128xf32, #tpu.memory_space<vmem>>, %arg8: memref<!tpu.dma_semaphore, #tpu.memory_space<semaphore_mem>>) attributes {dimension_semantics = [#tpu.dimension_semantics<core_parallel>, #tpu.dimension_semantics<subcore_parallel>], iteration_bounds = array<i64: 2, 16>, scalar_prefetch = 0 : i64, scratch_operands = 4 : i64, tpu.core_type = #tpu.core_type<sc_vector_subcore>, window_params = [{transform_indices = #map}, {transform_indices = #map}, {transform_indices = #map}]} {
    %mul3A = arith.constant 2 : i32
    %mul3A_0 = arith.muli %arg1, %mul3A : i32
    %add3A = arith.addi %mul3A_0, %arg0 : i32
    %mul3A_1 = arith.constant 1024 : i32
    %mul3A_2 = arith.muli %add3A, %mul3A_1 : i32
    "tpu.region"() ({
      %run_scoped3A = tpu.sem_alloc : memref<!tpu.dma_semaphore, #tpu.memory_space<semaphore_mem>>
      %dma_start3A = tpu.memref_slice %arg2[%mul3A_2] : memref<32768xi32, #tpu.memory_space<hbm>> -> memref<1024xi32, #tpu.memory_space<hbm>>
      %dma_start3A_20 = tpu.memref_slice %arg2[%mul3A_2] : memref<32768xi32, #tpu.memory_space<hbm>> -> memref<1024xi32, #tpu.memory_space<hbm>>
      tpu.enqueue_dma source(%dma_start3A_20 : memref<1024xi32, #tpu.memory_space<hbm>>) target(%arg5 : memref<1024xi32, #tpu.memory_space<vmem>>) target_semaphore(%run_scoped3A : memref<!tpu.dma_semaphore, #tpu.memory_space<semaphore_mem>>)
      %dma_wait3A = tpu.memref_slice %arg2[%mul3A_2] : memref<32768xi32, #tpu.memory_space<hbm>> -> memref<1024xi32, #tpu.memory_space<hbm>>
      %dma_wait3A_21 = tpu.memref_slice %arg2[%mul3A_2] : memref<32768xi32, #tpu.memory_space<hbm>> -> memref<1024xi32, #tpu.memory_space<hbm>>
      tpu.wait_dma2 semaphore(%run_scoped3A : memref<!tpu.dma_semaphore, #tpu.memory_space<semaphore_mem>>) src(%dma_wait3A_21 : memref<1024xi32, #tpu.memory_space<hbm>>) dst(%arg5 : memref<1024xi32, #tpu.memory_space<vmem>>)
      tpu.yield
    }) : () -> ()
    %scan3A = arith.constant 0 : i32
    %scan3A_3 = arith.constant 0 : i32
    %scan3A_4 = arith.constant 8 : i32
    %scan3A_5 = arith.addi %scan3A_3, %scan3A_4 : i32
    %scan3A_6 = arith.constant 1 : i32
    scf.for %scan3A_20 = %scan3A_3 to %scan3A_5 step %scan3A_6  : i32 {
      %broadcast_in_dim3A = arith.constant 1.000000e+00 : f32
      %broadcast_in_dim3A_21 = vector.broadcast %broadcast_in_dim3A : f32 to vector<16xf32>
      %mul3A_22 = arith.constant 16 : i32
      %mul3A_23 = arith.muli %scan3A_20, %mul3A_22 : i32
      %swap3A = arith.index_cast %mul3A_23 : i32 to index
      %swap3A_24 = tpu.vector_load %arg7[%swap3A] {strides = array<i32>} : memref<128xf32, #tpu.memory_space<vmem>>, vector<16xf32>,
      %swap3A_25 = vector.shape_cast %swap3A_24 : vector<16xf32> to vector<16xf32>
      %swap3A_26 = vector.shape_cast %broadcast_in_dim3A_21 : vector<16xf32> to vector<16xf32>
      tpu.vector_store %arg7[%swap3A], %swap3A_26 {strides = array<i32>} : memref<128xf32, #tpu.memory_space<vmem>>, vector<16xf32>,
    }
    %scan3A_7 = arith.constant 8 : i32
    %scan3A_8 = arith.constant 0 : i32
    %scan3A_9 = arith.constant 0 : i32
    %scan3A_10 = arith.constant 64 : i32
    %scan3A_11 = arith.addi %scan3A_9, %scan3A_10 : i32
    %scan3A_12 = arith.constant 8 : i32
    scf.for %scan3A_20 = %scan3A_9 to %scan3A_11 step %scan3A_12  : i32 {
      %mul3A_21 = arith.constant 16 : i32
      %mul3A_22 = arith.muli %scan3A_20, %mul3A_21 : i32
      %get3A = arith.index_cast %mul3A_22 : i32 to index
      %get3A_23 = tpu.vector_load %arg5[%get3A] {strides = array<i32>} : memref<1024xi32, #tpu.memory_space<vmem>>, vector<16xi32>,
      %get3A_24 = vector.shape_cast %get3A_23 : vector<16xi32> to vector<16xi32>
      %iota3A = tpu.iota {dimensions = array<i32: 0>} : vector<16xi32>
      %add3A_25 = arith.addi %mul3A_2, %mul3A_22 : i32
      %add3A_26 = vector.broadcast %add3A_25 : i32 to vector<16xi32>
      %add3A_27 = arith.addi %add3A_26, %iota3A : vector<16xi32>
      %mul3A_28 = arith.constant 1024 : i32
      %mul3A_29 = vector.broadcast %mul3A_28 : i32 to vector<16xi32>
      %mul3A_30 = arith.muli %add3A_27, %mul3A_29 : vector<16xi32>
      %add3A_31 = arith.addi %mul3A_30, %get3A_24 : vector<16xi32>
      %jit3A = arith.constant 8 : i32
      %div3A = arith.divsi %scan3A_20, %jit3A : i32
      %sign3A = arith.constant 0 : i32
      %sign3A_32 = arith.cmpi sgt, %scan3A_20, %sign3A : i32
      %sign3A_33 = arith.extui %sign3A_32 : i1 to i32
      %sign3A_34 = arith.constant 0 : i32
      %sign3A_35 = arith.cmpi slt, %scan3A_20, %sign3A_34 : i32
      %sign3A_36 = arith.extui %sign3A_35 : i1 to i32
      %sign3A_37 = arith.subi %sign3A_33, %sign3A_36 : i32
      %sign3A_38 = arith.constant 0 : i32
      %sign3A_39 = arith.cmpi sgt, %jit3A, %sign3A_38 : i32
      %sign3A_40 = arith.extui %sign3A_39 : i1 to i32
      %sign3A_41 = arith.constant 0 : i32
      %sign3A_42 = arith.cmpi slt, %jit3A, %sign3A_41 : i32
      %sign3A_43 = arith.extui %sign3A_42 : i1 to i32
      %sign3A_44 = arith.subi %sign3A_40, %sign3A_43 : i32
      %ne3A = arith.cmpi ne, %sign3A_37, %sign3A_44 : i32
      %rem3A = arith.remsi %scan3A_20, %jit3A : i32
      %ne3A_45 = arith.constant 0 : i32
      %ne3A_46 = arith.cmpi ne, %rem3A, %ne3A_45 : i32
      %and3A = arith.andi %ne3A, %ne3A_46 : i1
      %sub3A = arith.constant 1 : i32
      %sub3A_47 = arith.subi %div3A, %sub3A : i32
      %select_n3A = arith.select %and3A, %sub3A_47, %div3A : i32
      %jit3A_48 = arith.constant 8 : i32
      %eq3A = arith.constant 0 : i32
      %eq3A_49 = arith.cmpi eq, %jit3A_48, %eq3A : i32
      %jit3A_50 = arith.constant 1 : i32
      %select_n3A_51 = arith.select %eq3A_49, %jit3A_50, %jit3A_48 : i32
      %rem3A_52 = arith.remsi %scan3A_20, %select_n3A_51 : i32
      %ne3A_53 = arith.constant 0 : i32
      %ne3A_54 = arith.cmpi ne, %rem3A_52, %ne3A_53 : i32
      %lt3A = arith.constant 0 : i32
      %lt3A_55 = arith.cmpi slt, %rem3A_52, %lt3A : i32
      %lt3A_56 = arith.constant 0 : i32
      %lt3A_57 = arith.cmpi slt, %select_n3A_51, %lt3A_56 : i32
      %ne3A_58 = arith.xori %lt3A_55, %lt3A_57 : i1
      %and3A_59 = arith.andi %ne3A_58, %ne3A_54 : i1
      %add3A_60 = arith.addi %rem3A_52, %select_n3A_51 : i32
      %select_n3A_61 = arith.select %and3A_59, %add3A_60, %rem3A_52 : i32
      %mul3A_62 = arith.constant 16 : i32
      %mul3A_63 = arith.muli %select_n3A_61, %mul3A_62 : i32
      %swap3A = arith.index_cast %select_n3A : i32 to index
      %swap3A_64 = arith.index_cast %mul3A_63 : i32 to index
      %swap3A_65 = tpu.vector_load %arg6[%swap3A, %swap3A_64] {strides = array<i32>} : memref<8x128xi32, #tpu.memory_space<vmem>>, vector<1x16xi32>,
      %swap3A_66 = vector.shape_cast %swap3A_65 : vector<1x16xi32> to vector<16xi32>
      %swap3A_67 = vector.shape_cast %add3A_31 : vector<16xi32> to vector<1x16xi32>
      tpu.vector_store %arg6[%swap3A, %swap3A_64], %swap3A_67 {strides = array<i32>} : memref<8x128xi32, #tpu.memory_space<vmem>>, vector<1x16xi32>,
      %scan3A_68 = arith.constant 1 : i32
      %scan3A_69 = arith.addi %scan3A_20, %scan3A_68 : i32
      %mul3A_70 = arith.constant 16 : i32
      %mul3A_71 = arith.muli %scan3A_69, %mul3A_70 : i32
      %get3A_72 = arith.index_cast %mul3A_71 : i32 to index
      %get3A_73 = tpu.vector_load %arg5[%get3A_72] {strides = array<i32>} : memref<1024xi32, #tpu.memory_space<vmem>>, vector<16xi32>,
      %get3A_74 = vector.shape_cast %get3A_73 : vector<16xi32> to vector<16xi32>
      %iota3A_75 = tpu.iota {dimensions = array<i32: 0>} : vector<16xi32>
      %add3A_76 = arith.addi %mul3A_2, %mul3A_71 : i32
      %add3A_77 = vector.broadcast %add3A_76 : i32 to vector<16xi32>
      %add3A_78 = arith.addi %add3A_77, %iota3A_75 : vector<16xi32>
      %mul3A_79 = arith.constant 1024 : i32
      %mul3A_80 = vector.broadcast %mul3A_79 : i32 to vector<16xi32>
      %mul3A_81 = arith.muli %add3A_78, %mul3A_80 : vector<16xi32>
      %add3A_82 = arith.addi %mul3A_81, %get3A_74 : vector<16xi32>
      %jit3A_83 = arith.constant 8 : i32
      %div3A_84 = arith.divsi %scan3A_69, %jit3A_83 : i32
      %sign3A_85 = arith.constant 0 : i32
      %sign3A_86 = arith.cmpi sgt, %scan3A_69, %sign3A_85 : i32
      %sign3A_87 = arith.extui %sign3A_86 : i1 to i32
      %sign3A_88 = arith.constant 0 : i32
      %sign3A_89 = arith.cmpi slt, %scan3A_69, %sign3A_88 : i32
      %sign3A_90 = arith.extui %sign3A_89 : i1 to i32
      %sign3A_91 = arith.subi %sign3A_87, %sign3A_90 : i32
      %sign3A_92 = arith.constant 0 : i32
      %sign3A_93 = arith.cmpi sgt, %jit3A_83, %sign3A_92 : i32
      %sign3A_94 = arith.extui %sign3A_93 : i1 to i32
      %sign3A_95 = arith.constant 0 : i32
      %sign3A_96 = arith.cmpi slt, %jit3A_83, %sign3A_95 : i32
      %sign3A_97 = arith.extui %sign3A_96 : i1 to i32
      %sign3A_98 = arith.subi %sign3A_94, %sign3A_97 : i32
      %ne3A_99 = arith.cmpi ne, %sign3A_91, %sign3A_98 : i32
      %rem3A_100 = arith.remsi %scan3A_69, %jit3A_83 : i32
      %ne3A_101 = arith.constant 0 : i32
      %ne3A_102 = arith.cmpi ne, %rem3A_100, %ne3A_101 : i32
      %and3A_103 = arith.andi %ne3A_99, %ne3A_102 : i1
      %sub3A_104 = arith.constant 1 : i32
      %sub3A_105 = arith.subi %div3A_84, %sub3A_104 : i32
      %select_n3A_106 = arith.select %and3A_103, %sub3A_105, %div3A_84 : i32
      %jit3A_107 = arith.constant 8 : i32
      %eq3A_108 = arith.constant 0 : i32
      %eq3A_109 = arith.cmpi eq, %jit3A_107, %eq3A_108 : i32
      %jit3A_110 = arith.constant 1 : i32
      %select_n3A_111 = arith.select %eq3A_109, %jit3A_110, %jit3A_107 : i32
      %rem3A_112 = arith.remsi %scan3A_69, %select_n3A_111 : i32
      %ne3A_113 = arith.constant 0 : i32
      %ne3A_114 = arith.cmpi ne, %rem3A_112, %ne3A_113 : i32
      %lt3A_115 = arith.constant 0 : i32
      %lt3A_116 = arith.cmpi slt, %rem3A_112, %lt3A_115 : i32
      %lt3A_117 = arith.constant 0 : i32
      %lt3A_118 = arith.cmpi slt, %select_n3A_111, %lt3A_117 : i32
      %ne3A_119 = arith.xori %lt3A_116, %lt3A_118 : i1
      %and3A_120 = arith.andi %ne3A_119, %ne3A_114 : i1
      %add3A_121 = arith.addi %rem3A_112, %select_n3A_111 : i32
      %select_n3A_122 = arith.select %and3A_120, %add3A_121, %rem3A_112 : i32
      %mul3A_123 = arith.constant 16 : i32
      %mul3A_124 = arith.muli %select_n3A_122, %mul3A_123 : i32
      %swap3A_125 = arith.index_cast %select_n3A_106 : i32 to index
      %swap3A_126 = arith.index_cast %mul3A_124 : i32 to index
      %swap3A_127 = tpu.vector_load %arg6[%swap3A_125, %swap3A_126] {strides = array<i32>} : memref<8x128xi32, #tpu.memory_space<vmem>>, vector<1x16xi32>,
      %swap3A_128 = vector.shape_cast %swap3A_127 : vector<1x16xi32> to vector<16xi32>
      %swap3A_129 = vector.shape_cast %add3A_82 : vector<16xi32> to vector<1x16xi32>
      tpu.vector_store %arg6[%swap3A_125, %swap3A_126], %swap3A_129 {strides = array<i32>} : memref<8x128xi32, #tpu.memory_space<vmem>>, vector<1x16xi32>,
      %scan3A_130 = arith.constant 2 : i32
      %scan3A_131 = arith.addi %scan3A_20, %scan3A_130 : i32
      %mul3A_132 = arith.constant 16 : i32
      %mul3A_133 = arith.muli %scan3A_131, %mul3A_132 : i32
      %get3A_134 = arith.index_cast %mul3A_133 : i32 to index
      %get3A_135 = tpu.vector_load %arg5[%get3A_134] {strides = array<i32>} : memref<1024xi32, #tpu.memory_space<vmem>>, vector<16xi32>,
      %get3A_136 = vector.shape_cast %get3A_135 : vector<16xi32> to vector<16xi32>
      %iota3A_137 = tpu.iota {dimensions = array<i32: 0>} : vector<16xi32>
      %add3A_138 = arith.addi %mul3A_2, %mul3A_133 : i32
      %add3A_139 = vector.broadcast %add3A_138 : i32 to vector<16xi32>
      %add3A_140 = arith.addi %add3A_139, %iota3A_137 : vector<16xi32>
      %mul3A_141 = arith.constant 1024 : i32
      %mul3A_142 = vector.broadcast %mul3A_141 : i32 to vector<16xi32>
      %mul3A_143 = arith.muli %add3A_140, %mul3A_142 : vector<16xi32>
      %add3A_144 = arith.addi %mul3A_143, %get3A_136 : vector<16xi32>
      %jit3A_145 = arith.constant 8 : i32
      %div3A_146 = arith.divsi %scan3A_131, %jit3A_145 : i32
      %sign3A_147 = arith.constant 0 : i32
      %sign3A_148 = arith.cmpi sgt, %scan3A_131, %sign3A_147 : i32
      %sign3A_149 = arith.extui %sign3A_148 : i1 to i32
      %sign3A_150 = arith.constant 0 : i32
      %sign3A_151 = arith.cmpi slt, %scan3A_131, %sign3A_150 : i32
      %sign3A_152 = arith.extui %sign3A_151 : i1 to i32
      %sign3A_153 = arith.subi %sign3A_149, %sign3A_152 : i32
      %sign3A_154 = arith.constant 0 : i32
      %sign3A_155 = arith.cmpi sgt, %jit3A_145, %sign3A_154 : i32
      %sign3A_156 = arith.extui %sign3A_155 : i1 to i32
      %sign3A_157 = arith.constant 0 : i32
      %sign3A_158 = arith.cmpi slt, %jit3A_145, %sign3A_157 : i32
      %sign3A_159 = arith.extui %sign3A_158 : i1 to i32
      %sign3A_160 = arith.subi %sign3A_156, %sign3A_159 : i32
      %ne3A_161 = arith.cmpi ne, %sign3A_153, %sign3A_160 : i32
      %rem3A_162 = arith.remsi %scan3A_131, %jit3A_145 : i32
      %ne3A_163 = arith.constant 0 : i32
      %ne3A_164 = arith.cmpi ne, %rem3A_162, %ne3A_163 : i32
      %and3A_165 = arith.andi %ne3A_161, %ne3A_164 : i1
      %sub3A_166 = arith.constant 1 : i32
      %sub3A_167 = arith.subi %div3A_146, %sub3A_166 : i32
      %select_n3A_168 = arith.select %and3A_165, %sub3A_167, %div3A_146 : i32
      %jit3A_169 = arith.constant 8 : i32
      %eq3A_170 = arith.constant 0 : i32
      %eq3A_171 = arith.cmpi eq, %jit3A_169, %eq3A_170 : i32
      %jit3A_172 = arith.constant 1 : i32
      %select_n3A_173 = arith.select %eq3A_171, %jit3A_172, %jit3A_169 : i32
      %rem3A_174 = arith.remsi %scan3A_131, %select_n3A_173 : i32
      %ne3A_175 = arith.constant 0 : i32
      %ne3A_176 = arith.cmpi ne, %rem3A_174, %ne3A_175 : i32
      %lt3A_177 = arith.constant 0 : i32
      %lt3A_178 = arith.cmpi slt, %rem3A_174, %lt3A_177 : i32
      %lt3A_179 = arith.constant 0 : i32
      %lt3A_180 = arith.cmpi slt, %select_n3A_173, %lt3A_179 : i32
      %ne3A_181 = arith.xori %lt3A_178, %lt3A_180 : i1
      %and3A_182 = arith.andi %ne3A_181, %ne3A_176 : i1
      %add3A_183 = arith.addi %rem3A_174, %select_n3A_173 : i32
      %select_n3A_184 = arith.select %and3A_182, %add3A_183, %rem3A_174 : i32
      %mul3A_185 = arith.constant 16 : i32
      %mul3A_186 = arith.muli %select_n3A_184, %mul3A_185 : i32
      %swap3A_187 = arith.index_cast %select_n3A_168 : i32 to index
      %swap3A_188 = arith.index_cast %mul3A_186 : i32 to index
      %swap3A_189 = tpu.vector_load %arg6[%swap3A_187, %swap3A_188] {strides = array<i32>} : memref<8x128xi32, #tpu.memory_space<vmem>>, vector<1x16xi32>,
      %swap3A_190 = vector.shape_cast %swap3A_189 : vector<1x16xi32> to vector<16xi32>
      %swap3A_191 = vector.shape_cast %add3A_144 : vector<16xi32> to vector<1x16xi32>
      tpu.vector_store %arg6[%swap3A_187, %swap3A_188], %swap3A_191 {strides = array<i32>} : memref<8x128xi32, #tpu.memory_space<vmem>>, vector<1x16xi32>,
      %scan3A_192 = arith.constant 3 : i32
      %scan3A_193 = arith.addi %scan3A_20, %scan3A_192 : i32
      %mul3A_194 = arith.constant 16 : i32
      %mul3A_195 = arith.muli %scan3A_193, %mul3A_194 : i32
      %get3A_196 = arith.index_cast %mul3A_195 : i32 to index
      %get3A_197 = tpu.vector_load %arg5[%get3A_196] {strides = array<i32>} : memref<1024xi32, #tpu.memory_space<vmem>>, vector<16xi32>,
      %get3A_198 = vector.shape_cast %get3A_197 : vector<16xi32> to vector<16xi32>
      %iota3A_199 = tpu.iota {dimensions = array<i32: 0>} : vector<16xi32>
      %add3A_200 = arith.addi %mul3A_2, %mul3A_195 : i32
      %add3A_201 = vector.broadcast %add3A_200 : i32 to vector<16xi32>
      %add3A_202 = arith.addi %add3A_201, %iota3A_199 : vector<16xi32>
      %mul3A_203 = arith.constant 1024 : i32
      %mul3A_204 = vector.broadcast %mul3A_203 : i32 to vector<16xi32>
      %mul3A_205 = arith.muli %add3A_202, %mul3A_204 : vector<16xi32>
      %add3A_206 = arith.addi %mul3A_205, %get3A_198 : vector<16xi32>
      %jit3A_207 = arith.constant 8 : i32
      %div3A_208 = arith.divsi %scan3A_193, %jit3A_207 : i32
      %sign3A_209 = arith.constant 0 : i32
      %sign3A_210 = arith.cmpi sgt, %scan3A_193, %sign3A_209 : i32
      %sign3A_211 = arith.extui %sign3A_210 : i1 to i32
      %sign3A_212 = arith.constant 0 : i32
      %sign3A_213 = arith.cmpi slt, %scan3A_193, %sign3A_212 : i32
      %sign3A_214 = arith.extui %sign3A_213 : i1 to i32
      %sign3A_215 = arith.subi %sign3A_211, %sign3A_214 : i32
      %sign3A_216 = arith.constant 0 : i32
      %sign3A_217 = arith.cmpi sgt, %jit3A_207, %sign3A_216 : i32
      %sign3A_218 = arith.extui %sign3A_217 : i1 to i32
      %sign3A_219 = arith.constant 0 : i32
      %sign3A_220 = arith.cmpi slt, %jit3A_207, %sign3A_219 : i32
      %sign3A_221 = arith.extui %sign3A_220 : i1 to i32
      %sign3A_222 = arith.subi %sign3A_218, %sign3A_221 : i32
      %ne3A_223 = arith.cmpi ne, %sign3A_215, %sign3A_222 : i32
      %rem3A_224 = arith.remsi %scan3A_193, %jit3A_207 : i32
      %ne3A_225 = arith.constant 0 : i32
      %ne3A_226 = arith.cmpi ne, %rem3A_224, %ne3A_225 : i32
      %and3A_227 = arith.andi %ne3A_223, %ne3A_226 : i1
      %sub3A_228 = arith.constant 1 : i32
      %sub3A_229 = arith.subi %div3A_208, %sub3A_228 : i32
      %select_n3A_230 = arith.select %and3A_227, %sub3A_229, %div3A_208 : i32
      %jit3A_231 = arith.constant 8 : i32
      %eq3A_232 = arith.constant 0 : i32
      %eq3A_233 = arith.cmpi eq, %jit3A_231, %eq3A_232 : i32
      %jit3A_234 = arith.constant 1 : i32
      %select_n3A_235 = arith.select %eq3A_233, %jit3A_234, %jit3A_231 : i32
      %rem3A_236 = arith.remsi %scan3A_193, %select_n3A_235 : i32
      %ne3A_237 = arith.constant 0 : i32
      %ne3A_238 = arith.cmpi ne, %rem3A_236, %ne3A_237 : i32
      %lt3A_239 = arith.constant 0 : i32
      %lt3A_240 = arith.cmpi slt, %rem3A_236, %lt3A_239 : i32
      %lt3A_241 = arith.constant 0 : i32
      %lt3A_242 = arith.cmpi slt, %select_n3A_235, %lt3A_241 : i32
      %ne3A_243 = arith.xori %lt3A_240, %lt3A_242 : i1
      %and3A_244 = arith.andi %ne3A_243, %ne3A_238 : i1
      %add3A_245 = arith.addi %rem3A_236, %select_n3A_235 : i32
      %select_n3A_246 = arith.select %and3A_244, %add3A_245, %rem3A_236 : i32
      %mul3A_247 = arith.constant 16 : i32
      %mul3A_248 = arith.muli %select_n3A_246, %mul3A_247 : i32
      %swap3A_249 = arith.index_cast %select_n3A_230 : i32 to index
      %swap3A_250 = arith.index_cast %mul3A_248 : i32 to index
      %swap3A_251 = tpu.vector_load %arg6[%swap3A_249, %swap3A_250] {strides = array<i32>} : memref<8x128xi32, #tpu.memory_space<vmem>>, vector<1x16xi32>,
      %swap3A_252 = vector.shape_cast %swap3A_251 : vector<1x16xi32> to vector<16xi32>
      %swap3A_253 = vector.shape_cast %add3A_206 : vector<16xi32> to vector<1x16xi32>
      tpu.vector_store %arg6[%swap3A_249, %swap3A_250], %swap3A_253 {strides = array<i32>} : memref<8x128xi32, #tpu.memory_space<vmem>>, vector<1x16xi32>,
      %scan3A_254 = arith.constant 4 : i32
      %scan3A_255 = arith.addi %scan3A_20, %scan3A_254 : i32
      %mul3A_256 = arith.constant 16 : i32
      %mul3A_257 = arith.muli %scan3A_255, %mul3A_256 : i32
      %get3A_258 = arith.index_cast %mul3A_257 : i32 to index
      %get3A_259 = tpu.vector_load %arg5[%get3A_258] {strides = array<i32>} : memref<1024xi32, #tpu.memory_space<vmem>>, vector<16xi32>,
      %get3A_260 = vector.shape_cast %get3A_259 : vector<16xi32> to vector<16xi32>
      %iota3A_261 = tpu.iota {dimensions = array<i32: 0>} : vector<16xi32>
      %add3A_262 = arith.addi %mul3A_2, %mul3A_257 : i32
      %add3A_263 = vector.broadcast %add3A_262 : i32 to vector<16xi32>
      %add3A_264 = arith.addi %add3A_263, %iota3A_261 : vector<16xi32>
      %mul3A_265 = arith.constant 1024 : i32
      %mul3A_266 = vector.broadcast %mul3A_265 : i32 to vector<16xi32>
      %mul3A_267 = arith.muli %add3A_264, %mul3A_266 : vector<16xi32>
      %add3A_268 = arith.addi %mul3A_267, %get3A_260 : vector<16xi32>
      %jit3A_269 = arith.constant 8 : i32
      %div3A_270 = arith.divsi %scan3A_255, %jit3A_269 : i32
      %sign3A_271 = arith.constant 0 : i32
      %sign3A_272 = arith.cmpi sgt, %scan3A_255, %sign3A_271 : i32
      %sign3A_273 = arith.extui %sign3A_272 : i1 to i32
      %sign3A_274 = arith.constant 0 : i32
      %sign3A_275 = arith.cmpi slt, %scan3A_255, %sign3A_274 : i32
      %sign3A_276 = arith.extui %sign3A_275 : i1 to i32
      %sign3A_277 = arith.subi %sign3A_273, %sign3A_276 : i32
      %sign3A_278 = arith.constant 0 : i32
      %sign3A_279 = arith.cmpi sgt, %jit3A_269, %sign3A_278 : i32
      %sign3A_280 = arith.extui %sign3A_279 : i1 to i32
      %sign3A_281 = arith.constant 0 : i32
      %sign3A_282 = arith.cmpi slt, %jit3A_269, %sign3A_281 : i32
      %sign3A_283 = arith.extui %sign3A_282 : i1 to i32
      %sign3A_284 = arith.subi %sign3A_280, %sign3A_283 : i32
      %ne3A_285 = arith.cmpi ne, %sign3A_277, %sign3A_284 : i32
      %rem3A_286 = arith.remsi %scan3A_255, %jit3A_269 : i32
      %ne3A_287 = arith.constant 0 : i32
      %ne3A_288 = arith.cmpi ne, %rem3A_286, %ne3A_287 : i32
      %and3A_289 = arith.andi %ne3A_285, %ne3A_288 : i1
      %sub3A_290 = arith.constant 1 : i32
      %sub3A_291 = arith.subi %div3A_270, %sub3A_290 : i32
      %select_n3A_292 = arith.select %and3A_289, %sub3A_291, %div3A_270 : i32
      %jit3A_293 = arith.constant 8 : i32
      %eq3A_294 = arith.constant 0 : i32
      %eq3A_295 = arith.cmpi eq, %jit3A_293, %eq3A_294 : i32
      %jit3A_296 = arith.constant 1 : i32
      %select_n3A_297 = arith.select %eq3A_295, %jit3A_296, %jit3A_293 : i32
      %rem3A_298 = arith.remsi %scan3A_255, %select_n3A_297 : i32
      %ne3A_299 = arith.constant 0 : i32
      %ne3A_300 = arith.cmpi ne, %rem3A_298, %ne3A_299 : i32
      %lt3A_301 = arith.constant 0 : i32
      %lt3A_302 = arith.cmpi slt, %rem3A_298, %lt3A_301 : i32
      %lt3A_303 = arith.constant 0 : i32
      %lt3A_304 = arith.cmpi slt, %select_n3A_297, %lt3A_303 : i32
      %ne3A_305 = arith.xori %lt3A_302, %lt3A_304 : i1
      %and3A_306 = arith.andi %ne3A_305, %ne3A_300 : i1
      %add3A_307 = arith.addi %rem3A_298, %select_n3A_297 : i32
      %select_n3A_308 = arith.select %and3A_306, %add3A_307, %rem3A_298 : i32
      %mul3A_309 = arith.constant 16 : i32
      %mul3A_310 = arith.muli %select_n3A_308, %mul3A_309 : i32
      %swap3A_311 = arith.index_cast %select_n3A_292 : i32 to index
      %swap3A_312 = arith.index_cast %mul3A_310 : i32 to index
      %swap3A_313 = tpu.vector_load %arg6[%swap3A_311, %swap3A_312] {strides = array<i32>} : memref<8x128xi32, #tpu.memory_space<vmem>>, vector<1x16xi32>,
      %swap3A_314 = vector.shape_cast %swap3A_313 : vector<1x16xi32> to vector<16xi32>
      %swap3A_315 = vector.shape_cast %add3A_268 : vector<16xi32> to vector<1x16xi32>
      tpu.vector_store %arg6[%swap3A_311, %swap3A_312], %swap3A_315 {strides = array<i32>} : memref<8x128xi32, #tpu.memory_space<vmem>>, vector<1x16xi32>,
      %scan3A_316 = arith.constant 5 : i32
      %scan3A_317 = arith.addi %scan3A_20, %scan3A_316 : i32
      %mul3A_318 = arith.constant 16 : i32
      %mul3A_319 = arith.muli %scan3A_317, %mul3A_318 : i32
      %get3A_320 = arith.index_cast %mul3A_319 : i32 to index
      %get3A_321 = tpu.vector_load %arg5[%get3A_320] {strides = array<i32>} : memref<1024xi32, #tpu.memory_space<vmem>>, vector<16xi32>,
      %get3A_322 = vector.shape_cast %get3A_321 : vector<16xi32> to vector<16xi32>
      %iota3A_323 = tpu.iota {dimensions = array<i32: 0>} : vector<16xi32>
      %add3A_324 = arith.addi %mul3A_2, %mul3A_319 : i32
      %add3A_325 = vector.broadcast %add3A_324 : i32 to vector<16xi32>
      %add3A_326 = arith.addi %add3A_325, %iota3A_323 : vector<16xi32>
      %mul3A_327 = arith.constant 1024 : i32
      %mul3A_328 = vector.broadcast %mul3A_327 : i32 to vector<16xi32>
      %mul3A_329 = arith.muli %add3A_326, %mul3A_328 : vector<16xi32>
      %add3A_330 = arith.addi %mul3A_329, %get3A_322 : vector<16xi32>
      %jit3A_331 = arith.constant 8 : i32
      %div3A_332 = arith.divsi %scan3A_317, %jit3A_331 : i32
      %sign3A_333 = arith.constant 0 : i32
      %sign3A_334 = arith.cmpi sgt, %scan3A_317, %sign3A_333 : i32
      %sign3A_335 = arith.extui %sign3A_334 : i1 to i32
      %sign3A_336 = arith.constant 0 : i32
      %sign3A_337 = arith.cmpi slt, %scan3A_317, %sign3A_336 : i32
      %sign3A_338 = arith.extui %sign3A_337 : i1 to i32
      %sign3A_339 = arith.subi %sign3A_335, %sign3A_338 : i32
      %sign3A_340 = arith.constant 0 : i32
      %sign3A_341 = arith.cmpi sgt, %jit3A_331, %sign3A_340 : i32
      %sign3A_342 = arith.extui %sign3A_341 : i1 to i32
      %sign3A_343 = arith.constant 0 : i32
      %sign3A_344 = arith.cmpi slt, %jit3A_331, %sign3A_343 : i32
      %sign3A_345 = arith.extui %sign3A_344 : i1 to i32
      %sign3A_346 = arith.subi %sign3A_342, %sign3A_345 : i32
      %ne3A_347 = arith.cmpi ne, %sign3A_339, %sign3A_346 : i32
      %rem3A_348 = arith.remsi %scan3A_317, %jit3A_331 : i32
      %ne3A_349 = arith.constant 0 : i32
      %ne3A_350 = arith.cmpi ne, %rem3A_348, %ne3A_349 : i32
      %and3A_351 = arith.andi %ne3A_347, %ne3A_350 : i1
      %sub3A_352 = arith.constant 1 : i32
      %sub3A_353 = arith.subi %div3A_332, %sub3A_352 : i32
      %select_n3A_354 = arith.select %and3A_351, %sub3A_353, %div3A_332 : i32
      %jit3A_355 = arith.constant 8 : i32
      %eq3A_356 = arith.constant 0 : i32
      %eq3A_357 = arith.cmpi eq, %jit3A_355, %eq3A_356 : i32
      %jit3A_358 = arith.constant 1 : i32
      %select_n3A_359 = arith.select %eq3A_357, %jit3A_358, %jit3A_355 : i32
      %rem3A_360 = arith.remsi %scan3A_317, %select_n3A_359 : i32
      %ne3A_361 = arith.constant 0 : i32
      %ne3A_362 = arith.cmpi ne, %rem3A_360, %ne3A_361 : i32
      %lt3A_363 = arith.constant 0 : i32
      %lt3A_364 = arith.cmpi slt, %rem3A_360, %lt3A_363 : i32
      %lt3A_365 = arith.constant 0 : i32
      %lt3A_366 = arith.cmpi slt, %select_n3A_359, %lt3A_365 : i32
      %ne3A_367 = arith.xori %lt3A_364, %lt3A_366 : i1
      %and3A_368 = arith.andi %ne3A_367, %ne3A_362 : i1
      %add3A_369 = arith.addi %rem3A_360, %select_n3A_359 : i32
      %select_n3A_370 = arith.select %and3A_368, %add3A_369, %rem3A_360 : i32
      %mul3A_371 = arith.constant 16 : i32
      %mul3A_372 = arith.muli %select_n3A_370, %mul3A_371 : i32
      %swap3A_373 = arith.index_cast %select_n3A_354 : i32 to index
      %swap3A_374 = arith.index_cast %mul3A_372 : i32 to index
      %swap3A_375 = tpu.vector_load %arg6[%swap3A_373, %swap3A_374] {strides = array<i32>} : memref<8x128xi32, #tpu.memory_space<vmem>>, vector<1x16xi32>,
      %swap3A_376 = vector.shape_cast %swap3A_375 : vector<1x16xi32> to vector<16xi32>
      %swap3A_377 = vector.shape_cast %add3A_330 : vector<16xi32> to vector<1x16xi32>
      tpu.vector_store %arg6[%swap3A_373, %swap3A_374], %swap3A_377 {strides = array<i32>} : memref<8x128xi32, #tpu.memory_space<vmem>>, vector<1x16xi32>,
      %scan3A_378 = arith.constant 6 : i32
      %scan3A_379 = arith.addi %scan3A_20, %scan3A_378 : i32
      %mul3A_380 = arith.constant 16 : i32
      %mul3A_381 = arith.muli %scan3A_379, %mul3A_380 : i32
      %get3A_382 = arith.index_cast %mul3A_381 : i32 to index
      %get3A_383 = tpu.vector_load %arg5[%get3A_382] {strides = array<i32>} : memref<1024xi32, #tpu.memory_space<vmem>>, vector<16xi32>,
      %get3A_384 = vector.shape_cast %get3A_383 : vector<16xi32> to vector<16xi32>
      %iota3A_385 = tpu.iota {dimensions = array<i32: 0>} : vector<16xi32>
      %add3A_386 = arith.addi %mul3A_2, %mul3A_381 : i32
      %add3A_387 = vector.broadcast %add3A_386 : i32 to vector<16xi32>
      %add3A_388 = arith.addi %add3A_387, %iota3A_385 : vector<16xi32>
      %mul3A_389 = arith.constant 1024 : i32
      %mul3A_390 = vector.broadcast %mul3A_389 : i32 to vector<16xi32>
      %mul3A_391 = arith.muli %add3A_388, %mul3A_390 : vector<16xi32>
      %add3A_392 = arith.addi %mul3A_391, %get3A_384 : vector<16xi32>
      %jit3A_393 = arith.constant 8 : i32
      %div3A_394 = arith.divsi %scan3A_379, %jit3A_393 : i32
      %sign3A_395 = arith.constant 0 : i32
      %sign3A_396 = arith.cmpi sgt, %scan3A_379, %sign3A_395 : i32
      %sign3A_397 = arith.extui %sign3A_396 : i1 to i32
      %sign3A_398 = arith.constant 0 : i32
      %sign3A_399 = arith.cmpi slt, %scan3A_379, %sign3A_398 : i32
      %sign3A_400 = arith.extui %sign3A_399 : i1 to i32
      %sign3A_401 = arith.subi %sign3A_397, %sign3A_400 : i32
      %sign3A_402 = arith.constant 0 : i32
      %sign3A_403 = arith.cmpi sgt, %jit3A_393, %sign3A_402 : i32
      %sign3A_404 = arith.extui %sign3A_403 : i1 to i32
      %sign3A_405 = arith.constant 0 : i32
      %sign3A_406 = arith.cmpi slt, %jit3A_393, %sign3A_405 : i32
      %sign3A_407 = arith.extui %sign3A_406 : i1 to i32
      %sign3A_408 = arith.subi %sign3A_404, %sign3A_407 : i32
      %ne3A_409 = arith.cmpi ne, %sign3A_401, %sign3A_408 : i32
      %rem3A_410 = arith.remsi %scan3A_379, %jit3A_393 : i32
      %ne3A_411 = arith.constant 0 : i32
      %ne3A_412 = arith.cmpi ne, %rem3A_410, %ne3A_411 : i32
      %and3A_413 = arith.andi %ne3A_409, %ne3A_412 : i1
      %sub3A_414 = arith.constant 1 : i32
      %sub3A_415 = arith.subi %div3A_394, %sub3A_414 : i32
      %select_n3A_416 = arith.select %and3A_413, %sub3A_415, %div3A_394 : i32
      %jit3A_417 = arith.constant 8 : i32
      %eq3A_418 = arith.constant 0 : i32
      %eq3A_419 = arith.cmpi eq, %jit3A_417, %eq3A_418 : i32
      %jit3A_420 = arith.constant 1 : i32
      %select_n3A_421 = arith.select %eq3A_419, %jit3A_420, %jit3A_417 : i32
      %rem3A_422 = arith.remsi %scan3A_379, %select_n3A_421 : i32
      %ne3A_423 = arith.constant 0 : i32
      %ne3A_424 = arith.cmpi ne, %rem3A_422, %ne3A_423 : i32
      %lt3A_425 = arith.constant 0 : i32
      %lt3A_426 = arith.cmpi slt, %rem3A_422, %lt3A_425 : i32
      %lt3A_427 = arith.constant 0 : i32
      %lt3A_428 = arith.cmpi slt, %select_n3A_421, %lt3A_427 : i32
      %ne3A_429 = arith.xori %lt3A_426, %lt3A_428 : i1
      %and3A_430 = arith.andi %ne3A_429, %ne3A_424 : i1
      %add3A_431 = arith.addi %rem3A_422, %select_n3A_421 : i32
      %select_n3A_432 = arith.select %and3A_430, %add3A_431, %rem3A_422 : i32
      %mul3A_433 = arith.constant 16 : i32
      %mul3A_434 = arith.muli %select_n3A_432, %mul3A_433 : i32
      %swap3A_435 = arith.index_cast %select_n3A_416 : i32 to index
      %swap3A_436 = arith.index_cast %mul3A_434 : i32 to index
      %swap3A_437 = tpu.vector_load %arg6[%swap3A_435, %swap3A_436] {strides = array<i32>} : memref<8x128xi32, #tpu.memory_space<vmem>>, vector<1x16xi32>,
      %swap3A_438 = vector.shape_cast %swap3A_437 : vector<1x16xi32> to vector<16xi32>
      %swap3A_439 = vector.shape_cast %add3A_392 : vector<16xi32> to vector<1x16xi32>
      tpu.vector_store %arg6[%swap3A_435, %swap3A_436], %swap3A_439 {strides = array<i32>} : memref<8x128xi32, #tpu.memory_space<vmem>>, vector<1x16xi32>,
      %scan3A_440 = arith.constant 7 : i32
      %scan3A_441 = arith.addi %scan3A_20, %scan3A_440 : i32
      %mul3A_442 = arith.constant 16 : i32
      %mul3A_443 = arith.muli %scan3A_441, %mul3A_442 : i32
      %get3A_444 = arith.index_cast %mul3A_443 : i32 to index
      %get3A_445 = tpu.vector_load %arg5[%get3A_444] {strides = array<i32>} : memref<1024xi32, #tpu.memory_space<vmem>>, vector<16xi32>,
      %get3A_446 = vector.shape_cast %get3A_445 : vector<16xi32> to vector<16xi32>
      %iota3A_447 = tpu.iota {dimensions = array<i32: 0>} : vector<16xi32>
      %add3A_448 = arith.addi %mul3A_2, %mul3A_443 : i32
      %add3A_449 = vector.broadcast %add3A_448 : i32 to vector<16xi32>
      %add3A_450 = arith.addi %add3A_449, %iota3A_447 : vector<16xi32>
      %mul3A_451 = arith.constant 1024 : i32
      %mul3A_452 = vector.broadcast %mul3A_451 : i32 to vector<16xi32>
      %mul3A_453 = arith.muli %add3A_450, %mul3A_452 : vector<16xi32>
      %add3A_454 = arith.addi %mul3A_453, %get3A_446 : vector<16xi32>
      %jit3A_455 = arith.constant 8 : i32
      %div3A_456 = arith.divsi %scan3A_441, %jit3A_455 : i32
      %sign3A_457 = arith.constant 0 : i32
      %sign3A_458 = arith.cmpi sgt, %scan3A_441, %sign3A_457 : i32
      %sign3A_459 = arith.extui %sign3A_458 : i1 to i32
      %sign3A_460 = arith.constant 0 : i32
      %sign3A_461 = arith.cmpi slt, %scan3A_441, %sign3A_460 : i32
      %sign3A_462 = arith.extui %sign3A_461 : i1 to i32
      %sign3A_463 = arith.subi %sign3A_459, %sign3A_462 : i32
      %sign3A_464 = arith.constant 0 : i32
      %sign3A_465 = arith.cmpi sgt, %jit3A_455, %sign3A_464 : i32
      %sign3A_466 = arith.extui %sign3A_465 : i1 to i32
      %sign3A_467 = arith.constant 0 : i32
      %sign3A_468 = arith.cmpi slt, %jit3A_455, %sign3A_467 : i32
      %sign3A_469 = arith.extui %sign3A_468 : i1 to i32
      %sign3A_470 = arith.subi %sign3A_466, %sign3A_469 : i32
      %ne3A_471 = arith.cmpi ne, %sign3A_463, %sign3A_470 : i32
      %rem3A_472 = arith.remsi %scan3A_441, %jit3A_455 : i32
      %ne3A_473 = arith.constant 0 : i32
      %ne3A_474 = arith.cmpi ne, %rem3A_472, %ne3A_473 : i32
      %and3A_475 = arith.andi %ne3A_471, %ne3A_474 : i1
      %sub3A_476 = arith.constant 1 : i32
      %sub3A_477 = arith.subi %div3A_456, %sub3A_476 : i32
      %select_n3A_478 = arith.select %and3A_475, %sub3A_477, %div3A_456 : i32
      %jit3A_479 = arith.constant 8 : i32
      %eq3A_480 = arith.constant 0 : i32
      %eq3A_481 = arith.cmpi eq, %jit3A_479, %eq3A_480 : i32
      %jit3A_482 = arith.constant 1 : i32
      %select_n3A_483 = arith.select %eq3A_481, %jit3A_482, %jit3A_479 : i32
      %rem3A_484 = arith.remsi %scan3A_441, %select_n3A_483 : i32
      %ne3A_485 = arith.constant 0 : i32
      %ne3A_486 = arith.cmpi ne, %rem3A_484, %ne3A_485 : i32
      %lt3A_487 = arith.constant 0 : i32
      %lt3A_488 = arith.cmpi slt, %rem3A_484, %lt3A_487 : i32
      %lt3A_489 = arith.constant 0 : i32
      %lt3A_490 = arith.cmpi slt, %select_n3A_483, %lt3A_489 : i32
      %ne3A_491 = arith.xori %lt3A_488, %lt3A_490 : i1
      %and3A_492 = arith.andi %ne3A_491, %ne3A_486 : i1
      %add3A_493 = arith.addi %rem3A_484, %select_n3A_483 : i32
      %select_n3A_494 = arith.select %and3A_492, %add3A_493, %rem3A_484 : i32
      %mul3A_495 = arith.constant 16 : i32
      %mul3A_496 = arith.muli %select_n3A_494, %mul3A_495 : i32
      %swap3A_497 = arith.index_cast %select_n3A_478 : i32 to index
      %swap3A_498 = arith.index_cast %mul3A_496 : i32 to index
      %swap3A_499 = tpu.vector_load %arg6[%swap3A_497, %swap3A_498] {strides = array<i32>} : memref<8x128xi32, #tpu.memory_space<vmem>>, vector<1x16xi32>,
      %swap3A_500 = vector.shape_cast %swap3A_499 : vector<1x16xi32> to vector<16xi32>
      %swap3A_501 = vector.shape_cast %add3A_454 : vector<16xi32> to vector<1x16xi32>
      tpu.vector_store %arg6[%swap3A_497, %swap3A_498], %swap3A_501 {strides = array<i32>} : memref<8x128xi32, #tpu.memory_space<vmem>>, vector<1x16xi32>,
    }
    %scan3A_13 = arith.constant 64 : i32
    %scan3A_14 = arith.constant 0 : i32
    %scan3A_15 = arith.constant 0 : i32
    %scan3A_16 = arith.constant 8 : i32
    %scan3A_17 = arith.addi %scan3A_15, %scan3A_16 : i32
    %scan3A_18 = arith.constant 1 : i32
    scf.for %scan3A_20 = %scan3A_15 to %scan3A_17 step %scan3A_18  : i32 {
      %dma_start3A = arith.constant 0 : i32
      %dma_start3A_21 = tpu.memref_slice %arg6[%scan3A_20, %dma_start3A] : memref<8x128xi32, #tpu.memory_space<vmem>> -> memref<1x128xi32, #tpu.memory_space<vmem>>
      %dma_start3A_22 = tpu.memref_squeeze %dma_start3A_21 : memref<1x128xi32, #tpu.memory_space<vmem>> -> memref<128xi32, #tpu.memory_space<vmem>>
      %dma_start3A_23 = arith.constant 0 : i32
      %dma_start3A_24 = tpu.memref_slice %arg3[%dma_start3A_23] : memref<33554432xf32, #tpu.memory_space<hbm>> -> memref<33554432xf32, #tpu.memory_space<hbm>>
      tpu.enqueue_indirect_dma source(%arg7 : memref<128xf32, #tpu.memory_space<vmem>>) target(%dma_start3A_24 : memref<33554432xf32, #tpu.memory_space<hbm>>) offsets(%dma_start3A_22 : memref<128xi32, #tpu.memory_space<vmem>>) semaphore(%arg8 : memref<!tpu.dma_semaphore, #tpu.memory_space<semaphore_mem>>)
      %dma_wait3A = arith.constant 0 : i32
      %dma_wait3A_25 = tpu.memref_slice %arg6[%scan3A_20, %dma_wait3A] : memref<8x128xi32, #tpu.memory_space<vmem>> -> memref<1x128xi32, #tpu.memory_space<vmem>>
      %dma_wait3A_26 = tpu.memref_squeeze %dma_wait3A_25 : memref<1x128xi32, #tpu.memory_space<vmem>> -> memref<128xi32, #tpu.memory_space<vmem>>
      %dma_wait3A_27 = arith.constant 0 : i32
      %dma_wait3A_28 = tpu.memref_slice %arg3[%dma_wait3A_27] : memref<33554432xf32, #tpu.memory_space<hbm>> -> memref<33554432xf32, #tpu.memory_space<hbm>>
      tpu.wait_indirect_dma semaphore(%arg8 : memref<!tpu.dma_semaphore, #tpu.memory_space<semaphore_mem>>) src(%arg7 : memref<128xf32, #tpu.memory_space<vmem>>) dst(%dma_wait3A_28 : memref<33554432xf32, #tpu.memory_space<hbm>>)
    }
    %scan3A_19 = arith.constant 8 : i32
    return
  }
}

#map = affine_map<(d0, d1) -> (0)>
module attributes {stable_mosaic.version = 14 : i64} {
  func.func @_enc_zero(%arg0: i32, %arg1: i32, %arg2: memref<33554432xf32, #tpu.memory_space<hbm>>, %arg3: memref<65536xf32, #tpu.memory_space<vmem>>) attributes {dimension_semantics = [#tpu.dimension_semantics<core_parallel>, #tpu.dimension_semantics<subcore_parallel>], iteration_bounds = array<i64: 2, 16>, scalar_prefetch = 0 : i64, scratch_operands = 1 : i64, tpu.core_type = #tpu.core_type<sc_vector_subcore>, window_params = [{transform_indices = #map}]} {
    %mul3A = arith.constant 2 : i32
    %mul3A_0 = arith.muli %arg1, %mul3A : i32
    %add3A = arith.addi %mul3A_0, %arg0 : i32
    %scan3A = arith.constant 0 : i32
    %scan3A_1 = arith.constant 0 : i32
    %scan3A_2 = arith.constant 4096 : i32
    %scan3A_3 = arith.addi %scan3A_1, %scan3A_2 : i32
    %scan3A_4 = arith.constant 1 : i32
    scf.for %scan3A_16 = %scan3A_1 to %scan3A_3 step %scan3A_4  : i32 {
      %broadcast_in_dim3A = arith.constant 0.000000e+00 : f32
      %broadcast_in_dim3A_17 = vector.broadcast %broadcast_in_dim3A : f32 to vector<16xf32>
      %mul3A_18 = arith.constant 16 : i32
      %mul3A_19 = arith.muli %scan3A_16, %mul3A_18 : i32
      %swap3A = arith.index_cast %mul3A_19 : i32 to index
      %swap3A_20 = tpu.vector_load %arg3[%swap3A] {strides = array<i32>} : memref<65536xf32, #tpu.memory_space<vmem>>, vector<16xf32>,
      %swap3A_21 = vector.shape_cast %swap3A_20 : vector<16xf32> to vector<16xf32>
      %swap3A_22 = vector.shape_cast %broadcast_in_dim3A_17 : vector<16xf32> to vector<16xf32>
      tpu.vector_store %arg3[%swap3A], %swap3A_22 {strides = array<i32>} : memref<65536xf32, #tpu.memory_space<vmem>>, vector<16xf32>,
    }
    %scan3A_5 = arith.constant 4096 : i32
    %mul3A_6 = arith.constant 1024 : i32
    %mul3A_7 = arith.muli %add3A, %mul3A_6 : i32
    %mul3A_8 = arith.constant 1024 : i32
    %mul3A_9 = arith.muli %mul3A_7, %mul3A_8 : i32
    %scan3A_10 = arith.constant 0 : i32
    %scan3A_11 = arith.constant 0 : i32
    %scan3A_12 = arith.constant 16 : i32
    %scan3A_13 = arith.addi %scan3A_11, %scan3A_12 : i32
    %scan3A_14 = arith.constant 1 : i32
    scf.for %scan3A_16 = %scan3A_11 to %scan3A_13 step %scan3A_14  : i32 {
      %mul3A_17 = arith.constant 65536 : i32
      %mul3A_18 = arith.muli %scan3A_16, %mul3A_17 : i32
      %add3A_19 = arith.addi %mul3A_9, %mul3A_18 : i32
      "tpu.region"() ({
        %run_scoped3A = tpu.sem_alloc : memref<!tpu.dma_semaphore, #tpu.memory_space<semaphore_mem>>
        %dma_start3A = tpu.memref_slice %arg2[%add3A_19] : memref<33554432xf32, #tpu.memory_space<hbm>> -> memref<65536xf32, #tpu.memory_space<hbm>>
        %dma_start3A_20 = tpu.memref_slice %arg2[%add3A_19] : memref<33554432xf32, #tpu.memory_space<hbm>> -> memref<65536xf32, #tpu.memory_space<hbm>>
        tpu.enqueue_dma source(%arg3 : memref<65536xf32, #tpu.memory_space<vmem>>) target(%dma_start3A_20 : memref<65536xf32, #tpu.memory_space<hbm>>) target_semaphore(%run_scoped3A : memref<!tpu.dma_semaphore, #tpu.memory_space<semaphore_mem>>)
        %dma_wait3A = tpu.memref_slice %arg2[%add3A_19] : memref<33554432xf32, #tpu.memory_space<hbm>> -> memref<65536xf32, #tpu.memory_space<hbm>>
        %dma_wait3A_21 = tpu.memref_slice %arg2[%add3A_19] : memref<33554432xf32, #tpu.memory_space<hbm>> -> memref<65536xf32, #tpu.memory_space<hbm>>
        tpu.wait_dma2 semaphore(%run_scoped3A : memref<!tpu.dma_semaphore, #tpu.memory_space<semaphore_mem>>) src(%arg3 : memref<65536xf32, #tpu.memory_space<vmem>>) dst(%dma_wait3A_21 : memref<65536xf32, #tpu.memory_space<hbm>>)
        tpu.yield
      }) : () -> ()
    }
    %scan3A_15 = arith.constant 16 : i32
    return
  }
}

module attributes {stable_mosaic.version = 14 : i64} {
  func.func @_vq_body(%arg0: i32, %arg1: memref<1x256x1024xf32, #tpu.memory_space<vmem>>, %arg2: memref<1024x256xf32, #tpu.memory_space<vmem>>, %arg3: memref<1x256x1024xf32, #tpu.memory_space<vmem>>, %arg4: memref<1x1x1024xi32, #tpu.memory_space<vmem>>, %arg5: memref<1x1xf32, #tpu.memory_space<smem>>, %arg6: memref<1x1xf32, #tpu.memory_space<smem>>, %arg7: memref<1024x8xf32, #tpu.memory_space<vmem>>, %arg8: memref<1xf32, #tpu.memory_space<smem>>, %arg9: memref<1x1024xf32, #tpu.memory_space<vmem>>) attributes {dimension_semantics = [#tpu.dimension_semantics<arbitrary>], iteration_bounds = array<i64: 32>, scalar_prefetch = 0 : i64, scratch_operands = 3 : i64, tpu.core_type = #tpu.core_type<tc>, window_params = [{transform_indices = @transform_0, window_bounds = array<i64: 1, 256, 1024>}, {pipeline_mode = #tpu.pipeline_mode<synchronous>, transform_indices = @transform_1, window_bounds = array<i64: 1024, 256>}, {transform_indices = @transform_2, window_bounds = array<i64: 1, 256, 1024>}, {transform_indices = @transform_3, window_bounds = array<i64: 1, 1, 1024>}, {transform_indices = @transform_4, window_bounds = array<i64: 1, 1>}, {transform_indices = @transform_5, window_bounds = array<i64: 1, 1>}]} {
    %get3A = arith.constant 0 : index
    %get3A_0 = arith.constant 0 : index
    %get3A_1 = vector.load %arg2[%get3A, %get3A_0] : memref<1024x256xf32, #tpu.memory_space<vmem>>, vector<1024x256xf32>
    %eq3A = arith.constant 0 : i32
    %eq3A_2 = arith.cmpi eq, %arg0, %eq3A : i32
    %convert_element_type3A = arith.extui %eq3A_2 : i1 to i32
    %cond3A = arith.constant 0 : i32
    %cond3A_3 = arith.cmpi ne, %convert_element_type3A, %cond3A : i32
    scf.if %cond3A_3 {
      %broadcast_in_dim3A_72 = arith.constant 0.000000e+00 : f32
      %broadcast_in_dim3A_73 = vector.broadcast %broadcast_in_dim3A_72 : f32 to vector<1024x8xf32>
      %swap3A_74 = arith.constant 0 : index
      %swap3A_75 = arith.constant 0 : index
      %swap3A_76 = vector.load %arg7[%swap3A_74, %swap3A_75] : memref<1024x8xf32, #tpu.memory_space<vmem>>, vector<1024x8xf32>
      tpu.vector_store %arg7[%swap3A_74, %swap3A_75], %broadcast_in_dim3A_73 {strides = array<i32>} : memref<1024x8xf32, #tpu.memory_space<vmem>>, vector<1024x8xf32>,
      %swap3A_77 = arith.constant 0.000000e+00 : f32
      %swap3A_78 = arith.constant 0 : index
      %swap3A_79 = memref.load %arg8[%swap3A_78] : memref<1xf32, #tpu.memory_space<smem>>
      memref.store %swap3A_77, %arg8[%swap3A_78] : memref<1xf32, #tpu.memory_space<smem>>
      %mul3A_80 = arith.mulf %get3A_1, %get3A_1 : vector<1024x256xf32>
      %reduce_sum3A_81 = arith.constant dense<0.000000e+00> : vector<1024xf32>
      %reduce_sum3A_82 = vector.multi_reduction <add>, %mul3A_80, %reduce_sum3A_81 [1] : vector<1024x256xf32> to vector<1024xf32>
      %broadcast_in_dim3A_83 = vector.shape_cast %reduce_sum3A_82 : vector<1024xf32> to vector<1024x1xf32>
      %transpose3A = tpu.transpose %broadcast_in_dim3A_83, [1, 0] : vector<1024x1xf32> -> vector<1x1024xf32>
      %swap3A_84 = arith.constant 0 : index
      %swap3A_85 = arith.constant 0 : index
      %swap3A_86 = vector.load %arg9[%swap3A_84, %swap3A_85] : memref<1x1024xf32, #tpu.memory_space<vmem>>, vector<1x1024xf32>
      tpu.vector_store %arg9[%swap3A_84, %swap3A_85], %transpose3A {strides = array<i32>} : memref<1x1024xf32, #tpu.memory_space<vmem>>, vector<1x1024xf32>,
    } else {
    }
    %get3A_4 = arith.constant 0 : index
    %get3A_5 = arith.constant 0 : index
    %get3A_6 = arith.constant 0 : index
    %get3A_7 = vector.load %arg1[%get3A_4, %get3A_5, %get3A_6] : memref<1x256x1024xf32, #tpu.memory_space<vmem>>, vector<1x256x1024xf32>
    %get3A_8 = vector.shape_cast %get3A_7 : vector<1x256x1024xf32> to vector<256x1024xf32>
    %get3A_9 = arith.constant 0 : index
    %get3A_10 = arith.constant 0 : index
    %get3A_11 = vector.load %arg9[%get3A_9, %get3A_10] : memref<1x1024xf32, #tpu.memory_space<vmem>>, vector<1x1024xf32>
    %get3A_12 = vector.shape_cast %get3A_11 : vector<1x1024xf32> to vector<1024xf32>
    %dot_general3A = arith.constant dense<0.000000e+00> : vector<1024x1024xf32>
    %dot_general3A_13 = tpu.matmul %get3A_1, %get3A_8, %dot_general3A {dimension_numbers = #tpu.dot_dimension_numbers<[1], [0], [0], [1], [0, 0, 1, 1], [], []>, transpose_lhs_hint = false} : vector<1024x256xf32>, vector<256x1024xf32>, vector<1024x1024xf32> -> vector<1024x1024xf32>
    %broadcast_in_dim3A = vector.shape_cast %get3A_12 : vector<1024xf32> to vector<1024x1xf32>
    %mul3A = arith.constant 2.000000e+00 : f32
    %mul3A_14 = vector.broadcast %mul3A : f32 to vector<1024x1024xf32>
    %mul3A_15 = arith.mulf %mul3A_14, %dot_general3A_13 : vector<1024x1024xf32>
    %sub3A = vector.broadcast %broadcast_in_dim3A : vector<1024x1xf32> to vector<1024x1024xf32>
    %sub3A_16 = arith.subf %sub3A, %mul3A_15 : vector<1024x1024xf32>
    %reduce_min3A = arith.constant dense<0x7F800000> : vector<1024xf32>
    %reduce_min3A_17 = vector.multi_reduction <minimumf>, %sub3A_16, %reduce_min3A [0] : vector<1024x1024xf32> to vector<1024xf32>
    %iota3A = tpu.iota {dimensions = array<i32: 0>} : vector<1024x1024xi32>
    %broadcast_in_dim3A_18 = vector.shape_cast %reduce_min3A_17 : vector<1024xf32> to vector<1x1024xf32>
    %eq3A_19 = vector.broadcast %broadcast_in_dim3A_18 : vector<1x1024xf32> to vector<1024x1024xf32>
    %eq3A_20 = arith.cmpf oeq, %sub3A_16, %eq3A_19 : vector<1024x1024xf32>
    %jit3A = arith.constant 1024 : i32
    %broadcast_in_dim3A_21 = vector.broadcast %jit3A : i32 to vector<1024x1024xi32>
    %select_n3A = arith.select %eq3A_20, %iota3A, %broadcast_in_dim3A_21 : vector<1024x1024xi1>, vector<1024x1024xi32>
    %reduce_min3A_22 = arith.constant dense<2147483647> : vector<1024xi32>
    %reduce_min3A_23 = vector.multi_reduction <minsi>, %select_n3A, %reduce_min3A_22 [0] : vector<1024x1024xi32> to vector<1024xi32>
    %broadcast_in_dim3A_24 = vector.shape_cast %reduce_min3A_23 : vector<1024xi32> to vector<1x1024xi32>
    %eq3A_25 = vector.broadcast %broadcast_in_dim3A_24 : vector<1x1024xi32> to vector<1024x1024xi32>
    %eq3A_26 = arith.cmpi eq, %iota3A, %eq3A_25 : vector<1024x1024xi32>
    %convert_element_type3A_27 = arith.extui %eq3A_26 : vector<1024x1024xi1> to vector<1024x1024xi32>
    %convert_element_type3A_28 = arith.sitofp %convert_element_type3A_27 : vector<1024x1024xi32> to vector<1024x1024xf32>
    %dot_general3A_29 = arith.constant dense<0.000000e+00> : vector<256x1024xf32>
    %dot_general3A_30 = tpu.matmul %get3A_1, %convert_element_type3A_28, %dot_general3A_29 {dimension_numbers = #tpu.dot_dimension_numbers<[0], [0], [1], [1], [0, 1, 1, 1], [], []>, transpose_lhs_hint = false} : vector<1024x256xf32>, vector<1024x1024xf32>, vector<256x1024xf32> -> vector<256x1024xf32>
    %sub3A_31 = arith.subf %dot_general3A_30, %get3A_8 : vector<256x1024xf32>
    %add3A = arith.addf %get3A_8, %sub3A_31 : vector<256x1024xf32>
    %swap3A = arith.constant 0 : index
    %swap3A_32 = arith.constant 0 : index
    %swap3A_33 = arith.constant 0 : index
    %swap3A_34 = vector.load %arg3[%swap3A, %swap3A_32, %swap3A_33] : memref<1x256x1024xf32, #tpu.memory_space<vmem>>, vector<1x256x1024xf32>
    %swap3A_35 = vector.shape_cast %swap3A_34 : vector<1x256x1024xf32> to vector<256x1024xf32>
    %swap3A_36 = vector.shape_cast %add3A : vector<256x1024xf32> to vector<1x256x1024xf32>
    tpu.vector_store %arg3[%swap3A, %swap3A_32, %swap3A_33], %swap3A_36 {strides = array<i32>} : memref<1x256x1024xf32, #tpu.memory_space<vmem>>, vector<1x256x1024xf32>,
    %swap3A_37 = arith.constant 0 : index
    %swap3A_38 = arith.constant 0 : index
    %swap3A_39 = arith.constant 0 : index
    %swap3A_40 = vector.load %arg4[%swap3A_37, %swap3A_38, %swap3A_39] : memref<1x1x1024xi32, #tpu.memory_space<vmem>>, vector<1x1x1024xi32>
    %swap3A_41 = vector.shape_cast %swap3A_40 : vector<1x1x1024xi32> to vector<1024xi32>
    %swap3A_42 = vector.shape_cast %reduce_min3A_23 : vector<1024xi32> to vector<1x1x1024xi32>
    tpu.vector_store %arg4[%swap3A_37, %swap3A_38, %swap3A_39], %swap3A_42 {strides = array<i32>} : memref<1x1x1024xi32, #tpu.memory_space<vmem>>, vector<1x1x1024xi32>,
    %broadcast_in_dim3A_43 = arith.constant 1.000000e+00 : f32
    %broadcast_in_dim3A_44 = vector.broadcast %broadcast_in_dim3A_43 : f32 to vector<1024x8xf32>
    %get3A_45 = arith.constant 0 : index
    %get3A_46 = arith.constant 0 : index
    %get3A_47 = vector.load %arg7[%get3A_45, %get3A_46] : memref<1024x8xf32, #tpu.memory_space<vmem>>, vector<1024x8xf32>
    %dot_general3A_48 = arith.constant dense<0.000000e+00> : vector<1024x8xf32>
    %dot_general3A_49 = tpu.matmul %convert_element_type3A_28, %broadcast_in_dim3A_44, %dot_general3A_48 {dimension_numbers = #tpu.dot_dimension_numbers<[1], [0], [0], [1], [0, 0, 1, 1], [], []>, transpose_lhs_hint = false} : vector<1024x1024xf32>, vector<1024x8xf32>, vector<1024x8xf32> -> vector<1024x8xf32>
    %add3A_50 = arith.addf %get3A_47, %dot_general3A_49 : vector<1024x8xf32>
    %swap3A_51 = arith.constant 0 : index
    %swap3A_52 = arith.constant 0 : index
    %swap3A_53 = vector.load %arg7[%swap3A_51, %swap3A_52] : memref<1024x8xf32, #tpu.memory_space<vmem>>, vector<1024x8xf32>
    tpu.vector_store %arg7[%swap3A_51, %swap3A_52], %add3A_50 {strides = array<i32>} : memref<1024x8xf32, #tpu.memory_space<vmem>>, vector<1024x8xf32>,
    %mul3A_54 = arith.mulf %get3A_8, %get3A_8 : vector<256x1024xf32>
    %reduce_sum3A = arith.constant dense<0.000000e+00> : vector<1024xf32>
    %reduce_sum3A_55 = vector.multi_reduction <add>, %mul3A_54, %reduce_sum3A [0] : vector<256x1024xf32> to vector<1024xf32>
    %get3A_56 = arith.constant 0 : index
    %get3A_57 = memref.load %arg8[%get3A_56] : memref<1xf32, #tpu.memory_space<smem>>
    %add3A_58 = arith.addf %reduce_sum3A_55, %reduce_min3A_17 : vector<1024xf32>
    %reduce_sum3A_59 = vector.shape_cast %add3A_58 : vector<1024xf32> to vector<1x1024xf32>
    %reduce_sum3A_60 = arith.constant dense<0.000000e+00> : vector<1xf32>
    %reduce_sum3A_61 = vector.multi_reduction <add>, %reduce_sum3A_59, %reduce_sum3A_60 [1] : vector<1x1024xf32> to vector<1xf32>
    %reduce_sum3A_62 = vector.shape_cast %reduce_sum3A_61 : vector<1xf32> to vector<1x1xf32>
    %reduce_sum3A_63 = vector.extract %reduce_sum3A_62[0, 0] : f32 from vector<1x1xf32>
    %add3A_64 = arith.addf %get3A_57, %reduce_sum3A_63 : f32
    %swap3A_65 = arith.constant 0 : index
    %swap3A_66 = memref.load %arg8[%swap3A_65] : memref<1xf32, #tpu.memory_space<smem>>
    memref.store %add3A_64, %arg8[%swap3A_65] : memref<1xf32, #tpu.memory_space<smem>>
    %eq3A_67 = arith.constant 31 : i32
    %eq3A_68 = arith.cmpi eq, %arg0, %eq3A_67 : i32
    %convert_element_type3A_69 = arith.extui %eq3A_68 : i1 to i32
    %cond3A_70 = arith.constant 0 : i32
    %cond3A_71 = arith.cmpi ne, %convert_element_type3A_69, %cond3A_70 : i32
    scf.if %cond3A_71 {
      %get3A_72 = arith.constant 0 : index
      %get3A_73 = memref.load %arg8[%get3A_72] : memref<1xf32, #tpu.memory_space<smem>>
      %mul3A_74 = arith.constant 2.500000e-01 : f32
      %mul3A_75 = arith.mulf %mul3A_74, %get3A_73 : f32
      %div3A = arith.constant 0x4B000000 : f32
      %div3A_76 = arith.divf %mul3A_75, %div3A : f32
      %swap3A_77 = arith.constant 0 : index
      %swap3A_78 = arith.constant 0 : index
      %swap3A_79 = memref.load %arg5[%swap3A_77, %swap3A_78] : memref<1x1xf32, #tpu.memory_space<smem>>
      memref.store %div3A_76, %arg5[%swap3A_77, %swap3A_78] : memref<1x1xf32, #tpu.memory_space<smem>>
      %get3A_80 = arith.constant 0 : index
      %get3A_81 = arith.constant 0 : index
      %get3A_82 = vector.load %arg7[%get3A_80, %get3A_81] : memref<1024x8xf32, #tpu.memory_space<vmem>>, vector<1024x8xf32>
      %div3A_83 = arith.constant 3.276800e+04 : f32
      %div3A_84 = vector.broadcast %div3A_83 : f32 to vector<1024x8xf32>
      %div3A_85 = arith.divf %get3A_82, %div3A_84 : vector<1024x8xf32>
      %add3A_86 = arith.constant 1.000000e-10 : f32
      %add3A_87 = vector.broadcast %add3A_86 : f32 to vector<1024x8xf32>
      %add3A_88 = arith.addf %div3A_85, %add3A_87 : vector<1024x8xf32>
      %log3A = math.log %add3A_88 : vector<1024x8xf32>
      %mul3A_89 = arith.mulf %div3A_85, %log3A : vector<1024x8xf32>
      %reduce_sum3A_90 = vector.shape_cast %mul3A_89 : vector<1024x8xf32> to vector<1x1024x8xf32>
      %reduce_sum3A_91 = arith.constant dense<0.000000e+00> : vector<1xf32>
      %reduce_sum3A_92 = vector.multi_reduction <add>, %reduce_sum3A_90, %reduce_sum3A_91 [1, 2] : vector<1x1024x8xf32> to vector<1xf32>
      %reduce_sum3A_93 = vector.shape_cast %reduce_sum3A_92 : vector<1xf32> to vector<1x1x1xf32>
      %reduce_sum3A_94 = vector.extract %reduce_sum3A_93[0, 0, 0] : f32 from vector<1x1x1xf32>
      %div3A_95 = arith.constant 8.000000e+00 : f32
      %div3A_96 = arith.divf %reduce_sum3A_94, %div3A_95 : f32
      %neg3A = arith.constant 0.000000e+00 : f32
      %neg3A_97 = arith.subf %neg3A, %div3A_96 : f32
      %exp3A = math.exp %neg3A_97 : f32
      %swap3A_98 = arith.constant 0 : index
      %swap3A_99 = arith.constant 0 : index
      %swap3A_100 = memref.load %arg6[%swap3A_98, %swap3A_99] : memref<1x1xf32, #tpu.memory_space<smem>>
      memref.store %exp3A, %arg6[%swap3A_98, %swap3A_99] : memref<1x1xf32, #tpu.memory_space<smem>>
    } else {
    }
    return
  }
  func.func @transform_0(%arg0: i32) -> (i32, i32, i32) {
    %jit3A = arith.constant 8 : i32
    %div3A = arith.divsi %arg0, %jit3A : i32
    %sign3A = arith.constant 0 : i32
    %sign3A_0 = arith.cmpi sgt, %arg0, %sign3A : i32
    %sign3A_1 = arith.extui %sign3A_0 : i1 to i32
    %sign3A_2 = arith.constant 0 : i32
    %sign3A_3 = arith.cmpi slt, %arg0, %sign3A_2 : i32
    %sign3A_4 = arith.extui %sign3A_3 : i1 to i32
    %sign3A_5 = arith.subi %sign3A_1, %sign3A_4 : i32
    %sign3A_6 = arith.constant 0 : i32
    %sign3A_7 = arith.cmpi sgt, %jit3A, %sign3A_6 : i32
    %sign3A_8 = arith.extui %sign3A_7 : i1 to i32
    %sign3A_9 = arith.constant 0 : i32
    %sign3A_10 = arith.cmpi slt, %jit3A, %sign3A_9 : i32
    %sign3A_11 = arith.extui %sign3A_10 : i1 to i32
    %sign3A_12 = arith.subi %sign3A_8, %sign3A_11 : i32
    %ne3A = arith.cmpi ne, %sign3A_5, %sign3A_12 : i32
    %rem3A = arith.remsi %arg0, %jit3A : i32
    %ne3A_13 = arith.constant 0 : i32
    %ne3A_14 = arith.cmpi ne, %rem3A, %ne3A_13 : i32
    %and3A = arith.andi %ne3A, %ne3A_14 : i1
    %sub3A = arith.constant 1 : i32
    %sub3A_15 = arith.subi %div3A, %sub3A : i32
    %select_n3A = arith.select %and3A, %sub3A_15, %div3A : i32
    %jit3A_16 = arith.constant 8 : i32
    %eq3A = arith.constant 0 : i32
    %eq3A_17 = arith.cmpi eq, %jit3A_16, %eq3A : i32
    %jit3A_18 = arith.constant 1 : i32
    %select_n3A_19 = arith.select %eq3A_17, %jit3A_18, %jit3A_16 : i32
    %rem3A_20 = arith.remsi %arg0, %select_n3A_19 : i32
    %ne3A_21 = arith.constant 0 : i32
    %ne3A_22 = arith.cmpi ne, %rem3A_20, %ne3A_21 : i32
    %lt3A = arith.constant 0 : i32
    %lt3A_23 = arith.cmpi slt, %rem3A_20, %lt3A : i32
    %lt3A_24 = arith.constant 0 : i32
    %lt3A_25 = arith.cmpi slt, %select_n3A_19, %lt3A_24 : i32
    %ne3A_26 = arith.xori %lt3A_23, %lt3A_25 : i1
    %and3A_27 = arith.andi %ne3A_26, %ne3A_22 : i1
    %add3A = arith.addi %rem3A_20, %select_n3A_19 : i32
    %select_n3A_28 = arith.select %and3A_27, %add3A, %rem3A_20 : i32
    %c0_i32 = arith.constant 0 : i32
    %c0_i32_29 = arith.constant 0 : i32
    return %select_n3A, %c0_i32, %select_n3A_28 : i32, i32, i32
  }
  func.func @transform_1(%arg0: i32) -> (i32, i32) {
    %c0_i32 = arith.constant 0 : i32
    %c0_i32_0 = arith.constant 0 : i32
    %c0_i32_1 = arith.constant 0 : i32
    return %c0_i32, %c0_i32_0 : i32, i32
  }
  func.func @transform_2(%arg0: i32) -> (i32, i32, i32) {
    %jit3A = arith.constant 8 : i32
    %div3A = arith.divsi %arg0, %jit3A : i32
    %sign3A = arith.constant 0 : i32
    %sign3A_0 = arith.cmpi sgt, %arg0, %sign3A : i32
    %sign3A_1 = arith.extui %sign3A_0 : i1 to i32
    %sign3A_2 = arith.constant 0 : i32
    %sign3A_3 = arith.cmpi slt, %arg0, %sign3A_2 : i32
    %sign3A_4 = arith.extui %sign3A_3 : i1 to i32
    %sign3A_5 = arith.subi %sign3A_1, %sign3A_4 : i32
    %sign3A_6 = arith.constant 0 : i32
    %sign3A_7 = arith.cmpi sgt, %jit3A, %sign3A_6 : i32
    %sign3A_8 = arith.extui %sign3A_7 : i1 to i32
    %sign3A_9 = arith.constant 0 : i32
    %sign3A_10 = arith.cmpi slt, %jit3A, %sign3A_9 : i32
    %sign3A_11 = arith.extui %sign3A_10 : i1 to i32
    %sign3A_12 = arith.subi %sign3A_8, %sign3A_11 : i32
    %ne3A = arith.cmpi ne, %sign3A_5, %sign3A_12 : i32
    %rem3A = arith.remsi %arg0, %jit3A : i32
    %ne3A_13 = arith.constant 0 : i32
    %ne3A_14 = arith.cmpi ne, %rem3A, %ne3A_13 : i32
    %and3A = arith.andi %ne3A, %ne3A_14 : i1
    %sub3A = arith.constant 1 : i32
    %sub3A_15 = arith.subi %div3A, %sub3A : i32
    %select_n3A = arith.select %and3A, %sub3A_15, %div3A : i32
    %jit3A_16 = arith.constant 8 : i32
    %eq3A = arith.constant 0 : i32
    %eq3A_17 = arith.cmpi eq, %jit3A_16, %eq3A : i32
    %jit3A_18 = arith.constant 1 : i32
    %select_n3A_19 = arith.select %eq3A_17, %jit3A_18, %jit3A_16 : i32
    %rem3A_20 = arith.remsi %arg0, %select_n3A_19 : i32
    %ne3A_21 = arith.constant 0 : i32
    %ne3A_22 = arith.cmpi ne, %rem3A_20, %ne3A_21 : i32
    %lt3A = arith.constant 0 : i32
    %lt3A_23 = arith.cmpi slt, %rem3A_20, %lt3A : i32
    %lt3A_24 = arith.constant 0 : i32
    %lt3A_25 = arith.cmpi slt, %select_n3A_19, %lt3A_24 : i32
    %ne3A_26 = arith.xori %lt3A_23, %lt3A_25 : i1
    %and3A_27 = arith.andi %ne3A_26, %ne3A_22 : i1
    %add3A = arith.addi %rem3A_20, %select_n3A_19 : i32
    %select_n3A_28 = arith.select %and3A_27, %add3A, %rem3A_20 : i32
    %c0_i32 = arith.constant 0 : i32
    %c0_i32_29 = arith.constant 0 : i32
    return %select_n3A, %c0_i32, %select_n3A_28 : i32, i32, i32
  }
  func.func @transform_3(%arg0: i32) -> (i32, i32, i32) {
    %c0_i32 = arith.constant 0 : i32
    %c0_i32_0 = arith.constant 0 : i32
    %c0_i32_1 = arith.constant 0 : i32
    return %arg0, %c0_i32, %c0_i32_0 : i32, i32, i32
  }
  func.func @transform_4(%arg0: i32) -> (i32, i32) {
    %c0_i32 = arith.constant 0 : i32
    %c0_i32_0 = arith.constant 0 : i32
    %c0_i32_1 = arith.constant 0 : i32
    return %c0_i32, %c0_i32_0 : i32, i32
  }
  func.func @transform_5(%arg0: i32) -> (i32, i32) {
    %c0_i32 = arith.constant 0 : i32
    %c0_i32_0 = arith.constant 0 : i32
    %c0_i32_1 = arith.constant 0 : i32
    return %c0_i32, %c0_i32_0 : i32, i32
  }
}

</mosaic_0001>

<sc_bundles>
// kernel: kernel.5.cloned.1.call-start
scs
__scs_entry_jumppad:
0x0: {  	(pc) =	sbr.rel $0x88, $3  }
0x1: {  	(tag) =	ssettag $0x0;
	lr =	simm.s32 $0x1  }
0x2: {  	[smem:$0x3F9F] =	sst lr;
	_ =	strace $0xD0000000  }
0x3: {  	_ = 	snop  }
0x4: {  	_ = 	snop  }
0x5: {  	_ = 	snop  }
0x6: {  	_ = 	snop  }
0x7: {  	_ = 	snop  }
__scs_overlays_trampoline_lowered:
0x8: {  	[smem:$0x3FAE] =	sst s0  }
0x9: {  	[smem:$0x3FAF] =	sst s1  }
0xa: {  	[smem:$0x3FB0] =	sst s2  }
0xb: {  	[smem:$0x3FB1] =	sst s3  }
0xc: {  	[smem:$0x3FB2] =	sst s4  }
0xd: {  	[smem:$0x3FB3] =	sst s5  }
0xe: {  	[smem:$0x3FB4] =	sst s6  }
0xf: {  	[smem:$0x3FB5] =	sst s7  }
0x10: {  	[smem:$0x3FB6] =	sst s8  }
0x11: {  	[smem:$0x3FB7] =	sst s9;
	s0 =	simm.s32 @!p0 $0x0  }
0x12: {  	s1 =	sld [smem:$0x3F9D];
	s0 =	simm.s32 @p0 $0x1  }
0x13: {  	[smem:$0x3FB8] =	sst s0;
	s0 =	simm.s32 @!p1 $0x0  }
0x14: {  	s2 =	sld [smem:$0x3F9C];
	s0 =	simm.s32 @p1 $0x1  }
0x15: {  	[smem:$0x3FB9] =	sst s0;
	s0 =	simm.s32 @!p2 $0x0  }
0x16: {  	s3 =	sld [smem:$0x3FDB];
	s0 =	simm.s32 @p2 $0x1  }
0x17: {  	s4 =	simm.s32 $0x1BF5;
	[smem:$0x3FBB] =	sst s0  }
0x18: {  	s0 =	sld [smem:$0x3F9E];
	_ =	swait.ge [sflag:s4], $0x0  }
0x19: {  	s7 =	sld [smem:$0x3F9F]  }
0x1a: {  	s8 =	sadd.s32 $0xFFFFE003, lr  }
0x1b: {  	s9 =	sadd.s32 $0xFFFFFEF7, lr;
	s5 =	simm.s32 $0xFFFFFFFF;
	p2 =	slt.u32 s8, $0xFFFFF086  }
0x1c: {  	p1 =	slt.u32 s9, $0xF7A;
	s5 =	simm.s32 @!p2 $0x0  }
0x1d: {  	s5 =	simm.s32 @p1 $0x1;
	p0 =	seq.s32 s7, s2  }
0x1e: {  	s7 =	smul.u32 @!p0 $0xF7A, s2;
	p2 =	seq.s32 @!p0 s5, $0x0  }
0x1f: {  	s9 =	smul.u32 $0xF7A, s1;
	s8 =	simm.s32 @!p0 $0x1BF5;
	p2 =	por !p2, p0  }
0x20: {  	[sflag:s8] =	ssyncset.s32 @!p0 $0xFFFFF086;
	s6 =	sadd.s32 @!p0 s3, s7;
	s7 =	simm.s32 @!p0 $0x108  }
0x21: {  	s3 =	sadd.s32 s3, s9;
	s6 =	sadd.s32 @!p0 $0x88, s6;
	s7 =	simm.s32 @p2 $0x1082  }
0x22: {  	[simem:s7], [sflag:s8] =	dma.local @!p0 [hbm:s6], $0xF7A  }
0x23: {  	s9 =	sor.u32 $0xD0000000, s2;
	s6 =	simm.s32 $0x108;
	_ =	swait.ge @!p0 [sflag:s8], $0x0  }
0x24: {  	s3 =	sadd.s32 $0x88, s3;
	s6 =	simm.s32 @!p1 $0x1082;
	[sflag:s4] =	ssyncset.s32 $0xFFFFF086  }
0x25: {  	[simem:s6], [sflag:s4] =	dma.local [hbm:s3], $0xF7A  }
0x26: {  	[smem:$0x3F9F] =	sst s1;
	(tag) =	ssettag s2;
	_ =	strace s9  }
0x27: {  	s1 =	sld [smem:$0x3FAF]  }
0x28: {  	s2 =	sld [smem:$0x3FB0]  }
0x29: {  	s4 =	sld [smem:$0x3FB2]  }
0x2a: {  	p0 =	seq.s32 s5, $0x0;
	s5 =	sld [smem:$0x3FB3]  }
0x2b: {  	s6 =	sld [smem:$0x3FB4]  }
0x2c: {  	s7 =	sld [smem:$0x3FB5]  }
0x2d: {  	s3 =	simm.s32 $0x108;
	s8 =	sld [smem:$0x3FB6]  }
0x2e: {  	s3 =	simm.s32 @!p0 $0x1082;
	s9 =	sld [smem:$0x3FB7]  }
0x2f: {  	lr =	sadd.s32 s0, s3;
	s0 =	sld [smem:$0x3FAE]  }
0x30: {  	s3 =	sld [smem:$0x3FB1]  }
0x31: {  	[smem:$0x3FBA] =	sst s10  }
0x32: {  	s10 =	sld [smem:$0x3FB8];
	_ =	sdelay $0x3  }
0x33: {  	p0 =	seq.s32 s10, $0x1;
	s10 =	sld [smem:$0x3FBA];
	_ =	sdelay $0x3  }
0x34: {  	[smem:$0x3FBA] =	sst s10  }
0x35: {  	s10 =	sld [smem:$0x3FB9];
	_ =	sdelay $0x3  }
0x36: {  	p1 =	seq.s32 s10, $0x1;
	s10 =	sld [smem:$0x3FBA];
	_ =	sdelay $0x3  }
0x37: {  	[smem:$0x3FBA] =	sst s10  }
0x38: {  	s10 =	sld [smem:$0x3FBB]  }
0x39: {  	_ = 	snop;
	(pc) =	sbr.ind lr, $3  }
0x3a: {  	_ = 	snop  }
0x3b: {  	_ = 	snop  }
0x3c: {  	p2 =	seq.s32 s10, $0x1;
	s10 =	sld [smem:$0x3FBA]  }
0x3d: {  	_ =	shalt  }
0x3e: {  	_ =	shalt  }
0x3f: {  	_ =	shalt  }
0x40: {  	_ =	shalt  }
0x41: {  	_ =	shalt  }
0x42: {  	_ =	shalt  }
0x43: {  	_ =	shalt  }
0x44: {  	_ =	shalt  }
0x45: {  	_ =	shalt  }
0x46: {  	_ =	shalt  }
0x47: {  	_ =	shalt  }
0x48: {  	_ =	shalt  }
0x49: {  	_ =	shalt  }
0x4a: {  	_ =	shalt  }
0x4b: {  	_ =	shalt  }
0x4c: {  	_ =	shalt  }
0x4d: {  	_ =	shalt  }
0x4e: {  	_ =	shalt  }
0x4f: {  	_ =	shalt  }
0x50: {  	_ =	shalt  }
0x51: {  	_ =	shalt  }
0x52: {  	_ =	shalt  }
0x53: {  	_ =	shalt  }
0x54: {  	_ =	shalt  }
0x55: {  	_ =	shalt  }
0x56: {  	_ =	shalt  }
0x57: {  	_ =	shalt  }
0x58: {  	_ =	shalt  }
0x59: {  	_ =	shalt  }
0x5a: {  	_ =	shalt  }
0x5b: {  	_ =	shalt  }
0x5c: {  	_ =	shalt  }
0x5d: {  	_ =	shalt  }
0x5e: {  	_ =	shalt  }
0x5f: {  	_ =	shalt  }
0x60: {  	_ =	shalt  }
0x61: {  	_ =	shalt  }
0x62: {  	_ =	shalt  }
0x63: {  	_ =	shalt  }
0x64: {  	_ =	shalt  }
0x65: {  	_ =	shalt  }
0x66: {  	_ =	shalt  }
0x67: {  	_ =	shalt  }
0x68: {  	_ =	shalt  }
0x69: {  	_ =	shalt  }
0x6a: {  	_ =	shalt  }
0x6b: {  	_ =	shalt  }
0x6c: {  	_ =	shalt  }
0x6d: {  	_ =	shalt  }
0x6e: {  	_ =	shalt  }
0x6f: {  	_ =	shalt  }
0x70: {  	_ =	shalt  }
0x71: {  	_ =	shalt  }
0x72: {  	_ =	shalt  }
0x73: {  	_ =	shalt  }
0x74: {  	_ =	shalt  }
0x75: {  	_ =	shalt  }
0x76: {  	_ =	shalt  }
0x77: {  	_ =	shalt  }
0x78: {  	_ =	shalt  }
0x79: {  	_ =	shalt  }
0x7a: {  	_ =	shalt  }
0x7b: {  	_ =	shalt  }
0x7c: {  	_ =	shalt  }
0x7d: {  	_ =	shalt  }
0x7e: {  	_ =	shalt  }
0x7f: {  	_ =	shalt  }
0x80: {  	_ =	shalt  }
0x81: {  	_ =	shalt  }
0x82: {  	_ =	shalt  }
0x83: {  	_ =	shalt  }
0x84: {  	_ =	shalt  }
0x85: {  	_ =	shalt  }
0x86: {  	_ =	shalt  }
0x87: {  	_ =	shalt  }
.Lfunc_end0:
.L_simem_size_0:
called_computation_lowered:
.L_overlay_start_0:
0x88: {  	s2 =	sld [smem:$0x3FD9]  }
0x89: {  	s3 =	sld [smem:$0x3FFE];
	_ =	sdelay $0x1  }
0x8a: {  	s1 =	srdreg.scid  }
0x8b: {  	s0 =	sand.u32 $0x1, s1  }
0x8c: {  	s16 =	sshll.u32 s0, $0xA;
	s2 =	sadd.s32 s3, s2  }
0x8d: {  	s2 =	sadd.s32 s2, s16  }
0x8e: {  	[smem:$0x3FC6] =	sst s2  }
0x8f: {  	_ = 	snop  }
0x90: {  	(tm) =	ssettm $0x1  }
0x91: {  	s17 =	sld [smem:$0x3FFB];
	_ =	sdelay $0x3  }
0x92: {  	_ =	strace s17  }
0x93: {  	s2 =	sld [smem:$0x3FFC];
	_ =	sdelay $0x3  }
0x94: {  	_ =	strace s2  }
0x95: {  	s2 =	sld [smem:$0x3FFD];
	_ =	sdelay $0x3  }
0x96: {  	_ =	strace s2  }
0x97: {  	_ =	strace $0x8FFFFFFF  }
0x98: {  	s18 =	sld [smem:$0x3FDB];
	_ =	sdelay $0x1  }
0x99: {  	s19 =	simm.s32 $_scs_section_size  }
0x9a: {  	s4 =	simm.s32 $_size__tile_overlayer_lowered;
	s5 =	simm.s32 $_tile_overlayer_lowered  }
0x9b: {  	s22 =	simm.s32 $0x1BFF;
	s21 =	sshll.u32 s5, $0x1;
	s2 =	sadd.s32 s19, s18  }
0x9c: {  	s6 =	simm.s32 $0x0;
	s20 =	sshll.u32 s4, $0x1;
	s4 =	sadd.s32 s21, s2  }
0x9d: {  	[timem:s6], [sflag:s22] =	dma.local [hbm:s4], s20  }
0x9e: {  	_ =	swait.ge [sflag:s22], s20  }
0x9f: {  	s3 =	ssub.s32 $0x0, s20;
	[sflag:s22] =	ssyncset.done $0x0  }
0xa0: {  	[sflag:s22] =	ssyncadd.s32 s3;
	_ =	sdelay $0x1  }
0xa1: {  	s23 =	simm.s32 $0x1B8B  }
0xa2: {  	_ =	swait.ge [sflag:s23], $0x1  }
0xa3: {  	[sflag:s23] =	ssyncset.done $0x0  }
0xa4: {  	s25 =	simm.s32 $0x1B8E;
	s24 =	sld [smem:$0x3FFE];
	[sflag:s23] =	ssyncadd.s32 $0xFFFFFFFF  }
0xa5: {  	s26 =	simm.s32 $execute0_lowered;
	[smem:$0x3FD2] =	sst s25  }
0xa6: {  	s4 =	sshll.u32 s26, $0x1;
	_ =	strace $0x80000046;
	[dreg:$0x1] =	wrdreg $0xFFFFFFFF  }
0xa7: {  	s28 =	simm.s32 $_size_execute0_lowered;
	s2 =	sadd.s32 s2, s4;
	[dreg:$0x0] =	wrdreg $0x0  }
0xa8: {  	s4 =	sshll.u32 s28, $0x1;
	[dreg:$0x2] =	wrdreg s2  }
0xa9: {  	[dreg:$0x3] =	wrdreg s4  }
0xaa: {  	[dreg:$0x4] =	wrdreg $0xC0  }
0xab: {  	_ =	task [dreg:s6], $0x5FFFF  }
0xac: {  	[dreg:$0x1] =	wrdreg $0xFFFFFFFF  }
0xad: {  	[dreg:$0x0] =	wrdreg $0x60  }
0xae: {  	[dreg:$0x2] =	wrdreg s24  }
0xaf: {  	[dreg:$0x3] =	wrdreg $0x9  }
0xb0: {  	_ =	task.clear_ibuf [dreg:s6], $0x4FFFF;
	_ =	strace $0x90000046  }
0xb1: {  	s29 =	simm.s32 $0x9;
	_ =	strace $0x80000048  }
0xb2: {  	_ =	swait.ge [sflag:s29], $0x1  }
0xb3: {  	[sflag:s29] =	ssyncadd.s32 $0xFFFFFFFF  }
0xb4: {  	_ =	strace $0x90000048  }
0xb5: {  	_ =	sfence  }
0xb6: {  	s30 =	sld [smem:$0x0];
	_ =	sdelay $0x2  }
0xb7: {  	s31 =	sshll.u32 s1, $0xD;
	s1 =	sshrl.u32 s1, $0x2  }
0xb8: {  	s3 =	sand.u32 $0x4000, s31;
	s1 =	sadd.s32 s1, s30  }
0xb9: {  	s0 =	sor.u32 s3, s0;
	s1 =	sshll.u32 s1, $0x11  }
0xba: {  	s0 =	sor.u32 s1, s0  }
0xbb: {  	s0 =	sadd.s32 $0x8F2B, s0  }
0xbc: {  	[sflag:s0] =	ssyncadd.remote.s32 $0x1  }
0xbd: {  	_ =	sfence.sel $0xFFFF  }
0xbe: {  	[dreg:$0x0] =	wrdreg $0xFFFFFFFF;
	(pc) =	sbr.abs _section_cstart, $3  }
0xbf: {  	[dreg:$0x1] =	wrdreg $0xFFFFFFFF  }
0xc0: {  	_ =	task.clear_ibuf [dreg:s6], $0x2FFFF;
	_ =	strace $0x9FFFFFFF  }
0xc1: {  	(tm) =	ssettm $0x7FFFFFFF  }
tec
execute0_lowered:
.L_overlay_start_1:
0x0: {  	(tag) =	ssettag $0x1  }
0x1: {  	s0 =	srdreg.scid  }
0x2: {  	s3 =	rddreg [dreg:$0x0];
	s1 =	stileid.u32;
	s2 =	simm.s32 $0x0  }
0x3: {  	s4 =	sand.u32 $0x1, s0;
	s0 =	rddreg [dreg:$0x1];
	s5 =	sshll.u32 s1, $0x12  }
0x4: {  	[smem:$0x7FF] =	sst s2;
	s6 =	ssub.s32 $0x2, s4;
	s5 =	sadd.s32 s5, s3  }
0x5: {  	s4 =	sshll.u32 s4, $0x11;
	_ =	strace $0x80000047;
	s31 =	sshrl.u32 s6, $0x1  }
0x6: {  	s4 =	sadd.s32 s4, s5;
	s5 =	simm.s32 $0x1;
	s3 =	ssub.s32 s6, s31  }
0x7: {  	v0 =	vimm.f32 $0.0e+00;
	s4 =	sadd.s32 $0xC00, s4;
	s6 =	simm.s32 $0x0;
	s3 =	smax.u32 s3, $0x1  }
.LBB2_1:
0x8: {  	s7 =	simm.s32 $0x0  }
.LBB2_2:
0x9: {  	p0 =	sne.s32 s7, $0x3FFC0  }
.Ltmp0:
0xa: {  	_ = 	snop;
	(pc) =	sbr.rel @p0 .LBB2_2-.Ltmp0, $3  }
0xb: {  	_ =	sdelay $0x1  }
0xc: {  	s8 =	sshra.s32 s7, $0x2  }
0xd: {  	s7 =	sadd.s32 $0x40, s7;
	[tilespmem:s8+$0x0] =	vst v0  }
0xe: {  	s7 =	sadd.s32 $0x0, s4  }
0xf: {  	[hbm4b:s7+s2] =	stream.linear.scatter [tilespmem:s2], [sflag:$0x1], $0x10000, $0x38;
	[tilespmem:$0x10000] =	vst v63  }
0x10: {  	_ =	swait.ge [sflag:s5], $0x10000  }
0x11: {  	s7 =	simm.s32 $0x2000;
	[sflag:s5] =	ssyncset.done $0x0  }
.LBB2_4:
0x12: {  	s8 =	sadd.s32 s7, s4;
	[sflag:s5] =	ssyncadd.s32 $0xFFFF0000;
	p0 =	sne.s32 s7, $0x1E000  }
0x13: {  	[hbm4b:s8+s2] =	stream.linear.scatter [tilespmem:s2], [sflag:$0x1], $0x10000, $0x38;
	[tilespmem:$0x10000] =	vst v63  }
.Ltmp1:
0x14: {  	_ = 	snop;
	(pc) =	sbr.rel @p0 .LBB2_4-.Ltmp1, $4  }
0x15: {  	_ = 	snop  }
0x16: {  	s7 =	sadd.s32 $0x2000, s7  }
0x17: {  	_ =	swait.ge [sflag:s5], $0x10000  }
0x18: {  	[sflag:s5] =	ssyncset.done $0x0  }
0x19: {  	s6 =	sadd.s32 $0x1, s6  }
0x1a: {  	p0 =	sne.s32 s6, s3  }
.Ltmp2:
0x1b: {  	_ = 	snop;
	(pc) =	sbr.rel @p0 .LBB2_1-.Ltmp2, $2  }
0x1c: {  	_ =	sdelay $0x2  }
0x1d: {  	[sflag:s5] =	ssyncadd.s32 $0xFFFF0000  }
0x1e: {  	_ =	sfence.sel $0x180000  }
0x1f: {  	[bflag:$0x0] =	sbarrier.arrive $0xFFFF  }
0x20: {  	p0 =	sne.s32 s1, $0x0;
	_ =	strace $0x90000047  }
0x21: {  	s0 =	sadd.s32 @!p0 $0x100000, s0;
	[bflag:$0x2] =	sbarrier.arrive $0xFFFF  }
0x22: {  	[sflag:s0] =	ssyncadd.tile.s32 @!p0 $0x1;
	_ =	shalt  }
.Lfunc_end2:
_tile_overlayer_lowered:
.L_overlay_start_2:
0x23: {  	(tag) =	ssettag $0x2  }
0x24: {  	s0 =	rddreg [dreg:$0x0];
	s2 =	stileid.u32  }
0x25: {  	s1 =	rddreg [dreg:$0x1];
	p0 =	sne.s32 s2, $0x0  }
0x26: {  	s3 =	rddreg [dreg:$0x2];
	[bflag:$0x3] =	sbarrier.arrive $0xFFFF;
	s2 =	simm.s32 @!p0 $0x1C01  }
0x27: {  	[timem:s3], [sflag:s2] =	dma.local @!p0 [hbm:s0], s1  }
0x28: {  	s0 =	simm.s32 @!p0 $0x1  }
0x29: {  	_ =	swait.ge @!p0 [sflag:s0], s1  }
0x2a: {  	s1 =	ssub.s32 @!p0 $0x0, s1;
	[sflag:s0] =	ssyncset.done @!p0 $0x0  }
0x2b: {  	[sflag:s0] =	ssyncadd.s32 @!p0 s1  }
0x2c: {  	[bflag:$0x3] =	sbarrier.arrive $0xFFFF  }
0x2d: {  	_ =	shalt  }

// kernel: kernel.8.cloned.1.call-start
scs
__scs_entry_jumppad:
0x0: {  	(pc) =	sbr.rel $0x88, $3  }
0x1: {  	(tag) =	ssettag $0x0;
	lr =	simm.s32 $0x1  }
0x2: {  	[smem:$0x3F9F] =	sst lr;
	_ =	strace $0xD0000000  }
0x3: {  	_ = 	snop  }
0x4: {  	_ = 	snop  }
0x5: {  	_ = 	snop  }
0x6: {  	_ = 	snop  }
0x7: {  	_ = 	snop  }
__scs_overlays_trampoline_lowered:
0x8: {  	[smem:$0x3FAE] =	sst s0  }
0x9: {  	[smem:$0x3FAF] =	sst s1  }
0xa: {  	[smem:$0x3FB0] =	sst s2  }
0xb: {  	[smem:$0x3FB1] =	sst s3  }
0xc: {  	[smem:$0x3FB2] =	sst s4  }
0xd: {  	[smem:$0x3FB3] =	sst s5  }
0xe: {  	[smem:$0x3FB4] =	sst s6  }
0xf: {  	[smem:$0x3FB5] =	sst s7  }
0x10: {  	[smem:$0x3FB6] =	sst s8  }
0x11: {  	[smem:$0x3FB7] =	sst s9;
	s0 =	simm.s32 @!p0 $0x0  }
0x12: {  	s1 =	sld [smem:$0x3F9D];
	s0 =	simm.s32 @p0 $0x1  }
0x13: {  	[smem:$0x3FB8] =	sst s0;
	s0 =	simm.s32 @!p1 $0x0  }
0x14: {  	s2 =	sld [smem:$0x3F9C];
	s0 =	simm.s32 @p1 $0x1  }
0x15: {  	[smem:$0x3FB9] =	sst s0;
	s0 =	simm.s32 @!p2 $0x0  }
0x16: {  	s3 =	sld [smem:$0x3FDB];
	s0 =	simm.s32 @p2 $0x1  }
0x17: {  	s4 =	simm.s32 $0x1BF5;
	[smem:$0x3FBB] =	sst s0  }
0x18: {  	s0 =	sld [smem:$0x3F9E];
	_ =	swait.ge [sflag:s4], $0x0  }
0x19: {  	s7 =	sld [smem:$0x3F9F]  }
0x1a: {  	s8 =	sadd.s32 $0xFFFFE003, lr  }
0x1b: {  	s9 =	sadd.s32 $0xFFFFFEF7, lr;
	s5 =	simm.s32 $0xFFFFFFFF;
	p2 =	slt.u32 s8, $0xFFFFF086  }
0x1c: {  	p1 =	slt.u32 s9, $0xF7A;
	s5 =	simm.s32 @!p2 $0x0  }
0x1d: {  	s5 =	simm.s32 @p1 $0x1;
	p0 =	seq.s32 s7, s2  }
0x1e: {  	s7 =	smul.u32 @!p0 $0xF7A, s2;
	p2 =	seq.s32 @!p0 s5, $0x0  }
0x1f: {  	s9 =	smul.u32 $0xF7A, s1;
	s8 =	simm.s32 @!p0 $0x1BF5;
	p2 =	por !p2, p0  }
0x20: {  	[sflag:s8] =	ssyncset.s32 @!p0 $0xFFFFF086;
	s6 =	sadd.s32 @!p0 s3, s7;
	s7 =	simm.s32 @!p0 $0x108  }
0x21: {  	s3 =	sadd.s32 s3, s9;
	s6 =	sadd.s32 @!p0 $0x88, s6;
	s7 =	simm.s32 @p2 $0x1082  }
0x22: {  	[simem:s7], [sflag:s8] =	dma.local @!p0 [hbm:s6], $0xF7A  }
0x23: {  	s9 =	sor.u32 $0xD0000000, s2;
	s6 =	simm.s32 $0x108;
	_ =	swait.ge @!p0 [sflag:s8], $0x0  }
0x24: {  	s3 =	sadd.s32 $0x88, s3;
	s6 =	simm.s32 @!p1 $0x1082;
	[sflag:s4] =	ssyncset.s32 $0xFFFFF086  }
0x25: {  	[simem:s6], [sflag:s4] =	dma.local [hbm:s3], $0xF7A  }
0x26: {  	[smem:$0x3F9F] =	sst s1;
	(tag) =	ssettag s2;
	_ =	strace s9  }
0x27: {  	s1 =	sld [smem:$0x3FAF]  }
0x28: {  	s2 =	sld [smem:$0x3FB0]  }
0x29: {  	s4 =	sld [smem:$0x3FB2]  }
0x2a: {  	p0 =	seq.s32 s5, $0x0;
	s5 =	sld [smem:$0x3FB3]  }
0x2b: {  	s6 =	sld [smem:$0x3FB4]  }
0x2c: {  	s7 =	sld [smem:$0x3FB5]  }
0x2d: {  	s3 =	simm.s32 $0x108;
	s8 =	sld [smem:$0x3FB6]  }
0x2e: {  	s3 =	simm.s32 @!p0 $0x1082;
	s9 =	sld [smem:$0x3FB7]  }
0x2f: {  	lr =	sadd.s32 s0, s3;
	s0 =	sld [smem:$0x3FAE]  }
0x30: {  	s3 =	sld [smem:$0x3FB1]  }
0x31: {  	[smem:$0x3FBA] =	sst s10  }
0x32: {  	s10 =	sld [smem:$0x3FB8];
	_ =	sdelay $0x3  }
0x33: {  	p0 =	seq.s32 s10, $0x1;
	s10 =	sld [smem:$0x3FBA];
	_ =	sdelay $0x3  }
0x34: {  	[smem:$0x3FBA] =	sst s10  }
0x35: {  	s10 =	sld [smem:$0x3FB9];
	_ =	sdelay $0x3  }
0x36: {  	p1 =	seq.s32 s10, $0x1;
	s10 =	sld [smem:$0x3FBA];
	_ =	sdelay $0x3  }
0x37: {  	[smem:$0x3FBA] =	sst s10  }
0x38: {  	s10 =	sld [smem:$0x3FBB]  }
0x39: {  	_ = 	snop;
	(pc) =	sbr.ind lr, $3  }
0x3a: {  	_ = 	snop  }
0x3b: {  	_ = 	snop  }
0x3c: {  	p2 =	seq.s32 s10, $0x1;
	s10 =	sld [smem:$0x3FBA]  }
0x3d: {  	_ =	shalt  }
0x3e: {  	_ =	shalt  }
0x3f: {  	_ =	shalt  }
0x40: {  	_ =	shalt  }
0x41: {  	_ =	shalt  }
0x42: {  	_ =	shalt  }
0x43: {  	_ =	shalt  }
0x44: {  	_ =	shalt  }
0x45: {  	_ =	shalt  }
0x46: {  	_ =	shalt  }
0x47: {  	_ =	shalt  }
0x48: {  	_ =	shalt  }
0x49: {  	_ =	shalt  }
0x4a: {  	_ =	shalt  }
0x4b: {  	_ =	shalt  }
0x4c: {  	_ =	shalt  }
0x4d: {  	_ =	shalt  }
0x4e: {  	_ =	shalt  }
0x4f: {  	_ =	shalt  }
0x50: {  	_ =	shalt  }
0x51: {  	_ =	shalt  }
0x52: {  	_ =	shalt  }
0x53: {  	_ =	shalt  }
0x54: {  	_ =	shalt  }
0x55: {  	_ =	shalt  }
0x56: {  	_ =	shalt  }
0x57: {  	_ =	shalt  }
0x58: {  	_ =	shalt  }
0x59: {  	_ =	shalt  }
0x5a: {  	_ =	shalt  }
0x5b: {  	_ =	shalt  }
0x5c: {  	_ =	shalt  }
0x5d: {  	_ =	shalt  }
0x5e: {  	_ =	shalt  }
0x5f: {  	_ =	shalt  }
0x60: {  	_ =	shalt  }
0x61: {  	_ =	shalt  }
0x62: {  	_ =	shalt  }
0x63: {  	_ =	shalt  }
0x64: {  	_ =	shalt  }
0x65: {  	_ =	shalt  }
0x66: {  	_ =	shalt  }
0x67: {  	_ =	shalt  }
0x68: {  	_ =	shalt  }
0x69: {  	_ =	shalt  }
0x6a: {  	_ =	shalt  }
0x6b: {  	_ =	shalt  }
0x6c: {  	_ =	shalt  }
0x6d: {  	_ =	shalt  }
0x6e: {  	_ =	shalt  }
0x6f: {  	_ =	shalt  }
0x70: {  	_ =	shalt  }
0x71: {  	_ =	shalt  }
0x72: {  	_ =	shalt  }
0x73: {  	_ =	shalt  }
0x74: {  	_ =	shalt  }
0x75: {  	_ =	shalt  }
0x76: {  	_ =	shalt  }
0x77: {  	_ =	shalt  }
0x78: {  	_ =	shalt  }
0x79: {  	_ =	shalt  }
0x7a: {  	_ =	shalt  }
0x7b: {  	_ =	shalt  }
0x7c: {  	_ =	shalt  }
0x7d: {  	_ =	shalt  }
0x7e: {  	_ =	shalt  }
0x7f: {  	_ =	shalt  }
0x80: {  	_ =	shalt  }
0x81: {  	_ =	shalt  }
0x82: {  	_ =	shalt  }
0x83: {  	_ =	shalt  }
0x84: {  	_ =	shalt  }
0x85: {  	_ =	shalt  }
0x86: {  	_ =	shalt  }
0x87: {  	_ =	shalt  }
.Lfunc_end0:
.L_simem_size_0:
called_computation.1_lowered:
.L_overlay_start_0:
0x88: {  	s2 =	sld [smem:$0x3FD9]  }
0x89: {  	s3 =	sld [smem:$0x3FFE];
	_ =	sdelay $0x1  }
0x8a: {  	s1 =	srdreg.scid  }
0x8b: {  	s0 =	sand.u32 $0x1, s1  }
0x8c: {  	s14 =	sshll.u32 s0, $0xA;
	s2 =	sadd.s32 s3, s2  }
0x8d: {  	s2 =	sadd.s32 s2, s14  }
0x8e: {  	[smem:$0x3FC6] =	sst s2  }
0x8f: {  	_ = 	snop  }
0x90: {  	s2 =	sld [smem:$0x3FD0];
	_ =	sdelay $0x2  }
0x91: {  	s15 =	simm.s32 $0xA;
	s4 =	simm.s32 $0x10  }
0x92: {  	[smem:s4], [sflag:s15] =	dma.local [hbm:s2], $0x1  }
0x93: {  	_ =	swait.eq [sflag:s15], $0x1  }
0x94: {  	[sflag:s15] =	ssyncset.done $0x0  }
0x95: {  	[sflag:s15] =	ssyncadd.s32 $0xFFFFFFFF  }
0x96: {  	s16 =	sld [smem:$0x14];
	(tm) =	ssettm $0x1  }
0x97: {  	s17 =	sld [smem:$0x3FFB];
	_ =	sdelay $0x3  }
0x98: {  	_ =	strace s17  }
0x99: {  	s3 =	sld [smem:$0x3FFC];
	_ =	sdelay $0x3  }
0x9a: {  	_ =	strace s3  }
0x9b: {  	s3 =	sld [smem:$0x3FFD];
	_ =	sdelay $0x3  }
0x9c: {  	_ =	strace s3  }
0x9d: {  	_ =	strace $0x8FFFFFFF  }
0x9e: {  	s18 =	sld [smem:$0x3FDB];
	_ =	sdelay $0x1  }
0x9f: {  	s19 =	simm.s32 $_scs_section_size  }
0xa0: {  	s5 =	simm.s32 $_size__tile_overlayer_lowered;
	s6 =	simm.s32 $_tile_overlayer_lowered  }
0xa1: {  	s22 =	simm.s32 $0x1BFF;
	s21 =	sshll.u32 s6, $0x1;
	s3 =	sadd.s32 s19, s18  }
0xa2: {  	s7 =	simm.s32 $0x0;
	s20 =	sshll.u32 s5, $0x1;
	s5 =	sadd.s32 s21, s3  }
0xa3: {  	[timem:s7], [sflag:s22] =	dma.local [hbm:s5], s20  }
0xa4: {  	_ =	swait.ge [sflag:s22], s20  }
0xa5: {  	s4 =	ssub.s32 $0x0, s20;
	[sflag:s22] =	ssyncset.done $0x0  }
0xa6: {  	[sflag:s22] =	ssyncadd.s32 s4;
	_ =	sdelay $0x1  }
0xa7: {  	s23 =	simm.s32 $0x1B8B  }
0xa8: {  	_ =	swait.ge [sflag:s23], $0x1  }
0xa9: {  	[sflag:s23] =	ssyncset.done $0x0  }
0xaa: {  	s25 =	simm.s32 $0x1B8E;
	s24 =	sld [smem:$0x3FFE];
	[sflag:s23] =	ssyncadd.s32 $0xFFFFFFFF  }
0xab: {  	s26 =	simm.s32 $execute0_lowered;
	[smem:$0x3FD2] =	sst s25  }
0xac: {  	s5 =	sshll.u32 s26, $0x1;
	_ =	strace $0x80000049;
	[dreg:$0x1] =	wrdreg $0xFFFFFFFF  }
0xad: {  	s28 =	simm.s32 $_size_execute0_lowered;
	s3 =	sadd.s32 s3, s5;
	[dreg:$0x0] =	wrdreg $0x0  }
0xae: {  	s5 =	sshll.u32 s28, $0x1;
	[dreg:$0x2] =	wrdreg s3  }
0xaf: {  	[dreg:$0x3] =	wrdreg s5  }
0xb0: {  	[dreg:$0x4] =	wrdreg $0xC0  }
0xb1: {  	_ =	task [dreg:s7], $0x5FFFF  }
0xb2: {  	[dreg:$0x1] =	wrdreg $0xFFFFFFFF  }
0xb3: {  	[dreg:$0x0] =	wrdreg $0x60  }
0xb4: {  	[dreg:$0x2] =	wrdreg s16  }
0xb5: {  	[dreg:$0x3] =	wrdreg s24  }
0xb6: {  	[dreg:$0x4] =	wrdreg $0x9  }
0xb7: {  	_ =	task.clear_ibuf [dreg:s7], $0x5FFFF;
	_ =	strace $0x90000049  }
0xb8: {  	s29 =	simm.s32 $0x9;
	_ =	strace $0x8000004B  }
0xb9: {  	_ =	swait.ge [sflag:s29], $0x1  }
0xba: {  	[sflag:s29] =	ssyncadd.s32 $0xFFFFFFFF  }
0xbb: {  	_ =	strace $0x9000004B  }
0xbc: {  	_ =	sfence  }
0xbd: {  	s30 =	sld [smem:$0x0];
	_ =	sdelay $0x2  }
0xbe: {  	s31 =	sshll.u32 s1, $0xD;
	s1 =	sshrl.u32 s1, $0x2  }
0xbf: {  	s3 =	sand.u32 $0x4000, s31;
	s1 =	sadd.s32 s1, s30  }
0xc0: {  	s0 =	sor.u32 s3, s0;
	s1 =	sshll.u32 s1, $0x11  }
0xc1: {  	s0 =	sor.u32 s1, s0  }
0xc2: {  	s0 =	sadd.s32 $0x8F2B, s0  }
0xc3: {  	[sflag:s0] =	ssyncadd.remote.s32 $0x1  }
0xc4: {  	_ =	sfence.sel $0xFFFF  }
0xc5: {  	[dreg:$0x0] =	wrdreg $0xFFFFFFFF;
	(pc) =	sbr.abs _section_cstart, $3  }
0xc6: {  	[dreg:$0x1] =	wrdreg $0xFFFFFFFF  }
0xc7: {  	_ =	task.clear_ibuf [dreg:s7], $0x2FFFF;
	_ =	strace $0x9FFFFFFF  }
0xc8: {  	(tm) =	ssettm $0x7FFFFFFF  }
0xc9: {  	_ =	shalt  }
tec
execute0_lowered:
.L_overlay_start_1:
0x0: {  	(tag) =	ssettag $0x1  }
0x1: {  	s4 =	rddreg [dreg:$0x0]  }
0x2: {  	s3 =	rddreg [dreg:$0x1];
	s2 =	srdreg.scid  }
0x3: {  	s0 =	rddreg [dreg:$0x2];
	s1 =	stileid.u32;
	s9 =	simm.s32 $0x400  }
0x4: {  	s10 =	simm.s32 $0x800;
	s11 =	simm.s32 $0x1;
	s12 =	simm.s32 $0x480  }
0x5: {  	s13 =	simm.s32 $0x500;
	s14 =	simm.s32 $0x580;
	s15 =	simm.s32 $0x600  }
0x6: {  	s16 =	simm.s32 $0x680;
	s17 =	simm.s32 $0x700;
	s18 =	simm.s32 $0x780  }
0x7: {  	s19 =	simm.s32 $0x0;
	s5 =	sand.u32 $0x1, s2;
	s2 =	simm.s32 $0x0  }
0x8: {  	s6 =	sshll.u32 s1, $0xB;
	s3 =	sadd.s32 $0xC00, s3;
	s7 =	sshll.u32 s5, $0xA  }
0x9: {  	[smem:$0x7FF] =	sst s2;
	s5 =	ssub.s32 $0x2, s5;
	s6 =	sor.u32 s7, s6  }
0xa: {  	_ =	strace $0x8000004A;
	s31 =	sshrl.u32 s5, $0x1;
	s7 =	simm.s32 $0x2  }
0xb: {  	v1 =	vlaneseq.u32;
	s8 =	sshrl.u32 s6, $0x3;
	s5 =	ssub.s32 s5, s31;
	s6 =	sor.u32 $0x70, s6  }
0xc: {  	v0 =	vimm.f32 $1.000000000e+00;
	v1 =	vmul.u32 $0x400, v1;
	s4 =	sadd.s32 s4, s8;
	s5 =	smax.u32 s5, $0x1;
	s8 =	simm.s32 $0x80  }
.LBB2_1:
0xd: {  	[tilespmem:s2], [sflag:$0x2] =	stream.linear.gather [hbm4b:s4+s2], $0x400, $0x38;
	[tilespmem:$0x880] =	vst v63  }
0xe: {  	_ =	swait.ge [sflag:s7], $0x400  }
0xf: {  	[sflag:s7] =	ssyncset.done $0x0  }
0x10: {  	[sflag:s7] =	ssyncadd.s32 $0xFFFFFC00  }
0x11: {  	[tilespmem:$0x800] =	vst v0  }
0x12: {  	[tilespmem:$0x810] =	vst v0  }
0x13: {  	[tilespmem:$0x820] =	vst v0  }
0x14: {  	[tilespmem:$0x830] =	vst v0  }
0x15: {  	[tilespmem:$0x840] =	vst v0  }
0x16: {  	[tilespmem:$0x850] =	vst v0  }
0x17: {  	[tilespmem:$0x860] =	vst v0  }
0x18: {  	s21 =	simm.s32 $0x40;
	[tilespmem:$0x870] =	vst v0  }
0x19: {  	v2 =	vld [tilespmem:s21+$0xFFFFFFC0]  }
0x1a: {  	s20 =	sadd.s32 $0xFFFFFF90, s6  }
0x1b: {  	v3 =	vmov s20  }
0x1c: {  	v3 =	vshll.u32 v3, $0xA  }
0x1d: {  	v3 =	vor.u32 v1, v3  }
0x1e: {  	s20 =	simm.s32 $0x440;
	v2 =	vadd.s32 v3, v2  }
0x1f: {  	[tilespmem:s20+$0xFFFFFFC0] =	vst v2  }
0x20: {  	v2 =	vld [tilespmem:s21+$0xFFFFFFD0]  }
0x21: {  	s22 =	sadd.s32 $0xFFFFFFA0, s6  }
0x22: {  	v3 =	vmov s22  }
0x23: {  	v3 =	vshll.u32 v3, $0xA  }
0x24: {  	v3 =	vor.u32 v1, v3  }
0x25: {  	v2 =	vadd.s32 v3, v2  }
0x26: {  	[tilespmem:s20+$0xFFFFFFD0] =	vst v2  }
0x27: {  	v2 =	vld [tilespmem:s21+$0xFFFFFFE0]  }
0x28: {  	s26 =	sadd.s32 $0xFFFFFFB0, s6  }
0x29: {  	v3 =	vmov s26  }
0x2a: {  	v3 =	vshll.u32 v3, $0xA  }
0x2b: {  	v3 =	vor.u32 v1, v3  }
0x2c: {  	v2 =	vadd.s32 v3, v2  }
0x2d: {  	[tilespmem:s20+$0xFFFFFFE0] =	vst v2  }
0x2e: {  	v2 =	vld [tilespmem:s21+$0xFFFFFFF0]  }
0x2f: {  	s28 =	sadd.s32 $0xFFFFFFC0, s6  }
0x30: {  	v3 =	vmov s28  }
0x31: {  	v3 =	vshll.u32 v3, $0xA  }
0x32: {  	v3 =	vor.u32 v1, v3  }
0x33: {  	v2 =	vadd.s32 v3, v2  }
0x34: {  	[tilespmem:s20+$0xFFFFFFF0] =	vst v2  }
0x35: {  	v2 =	vld [tilespmem:s21+$0x0]  }
0x36: {  	s29 =	sadd.s32 $0xFFFFFFD0, s6  }
0x37: {  	v3 =	vmov s29  }
0x38: {  	v3 =	vshll.u32 v3, $0xA  }
0x39: {  	v3 =	vor.u32 v1, v3  }
0x3a: {  	v2 =	vadd.s32 v3, v2  }
0x3b: {  	[tilespmem:s20+$0x0] =	vst v2  }
0x3c: {  	v2 =	vld [tilespmem:s21+$0x10]  }
0x3d: {  	s30 =	sadd.s32 $0xFFFFFFE0, s6  }
0x3e: {  	v3 =	vmov s30  }
0x3f: {  	v3 =	vshll.u32 v3, $0xA  }
0x40: {  	v3 =	vor.u32 v1, v3  }
0x41: {  	v2 =	vadd.s32 v3, v2  }
0x42: {  	[tilespmem:s20+$0x10] =	vst v2  }
0x43: {  	v2 =	vld [tilespmem:s21+$0x20]  }
0x44: {  	s31 =	sadd.s32 $0xFFFFFFF0, s6  }
0x45: {  	v3 =	vmov s31  }
0x46: {  	v3 =	vshll.u32 v3, $0xA  }
0x47: {  	v3 =	vor.u32 v1, v3  }
0x48: {  	v2 =	vadd.s32 v3, v2  }
0x49: {  	[tilespmem:s20+$0x20] =	vst v2  }
0x4a: {  	v2 =	vld [tilespmem:s21+$0x30];
	_ =	sdelay $0x1  }
0x4b: {  	v3 =	vmov s6  }
0x4c: {  	v3 =	vshll.u32 v3, $0xA  }
0x4d: {  	v3 =	vor.u32 v1, v3  }
0x4e: {  	v2 =	vadd.s32 v3, v2  }
0x4f: {  	s23 =	smov.u32 s6;
	s22 =	simm.s32 $0xC0;
	s21 =	simm.s32 $0x0;
	[tilespmem:s20+$0x30] =	vst v2  }
.LBB2_2:
0x50: {  	v2 =	vld [tilespmem:s22+$0xFFFFFFC0];
	s21 =	sadd.s32 $0x8, s21;
	s23 =	sadd.s32 $0x80, s23  }
0x51: {  	s24 =	sadd.s32 $0xFFFFFF90, s23;
	p0 =	slt.u32 s21, $0x38  }
0x52: {  	v3 =	vmov s24  }
0x53: {  	v3 =	vshll.u32 v3, $0xA  }
0x54: {  	v3 =	vor.u32 v1, v3  }
0x55: {  	s20 =	sadd.s32 $0x80, s20;
	v2 =	vadd.s32 v3, v2  }
0x56: {  	[tilespmem:s20+$0xFFFFFFC0] =	vst v2  }
0x57: {  	v2 =	vld [tilespmem:s22+$0xFFFFFFD0]  }
0x58: {  	s24 =	sadd.s32 $0xFFFFFFA0, s23  }
0x59: {  	v3 =	vmov s24  }
0x5a: {  	v3 =	vshll.u32 v3, $0xA  }
0x5b: {  	v3 =	vor.u32 v1, v3  }
0x5c: {  	v2 =	vadd.s32 v3, v2  }
0x5d: {  	[tilespmem:s20+$0xFFFFFFD0] =	vst v2  }
0x5e: {  	v2 =	vld [tilespmem:s22+$0xFFFFFFE0]  }
0x5f: {  	s24 =	sadd.s32 $0xFFFFFFB0, s23  }
0x60: {  	v3 =	vmov s24  }
0x61: {  	v3 =	vshll.u32 v3, $0xA  }
0x62: {  	v3 =	vor.u32 v1, v3  }
0x63: {  	v2 =	vadd.s32 v3, v2  }
0x64: {  	[tilespmem:s20+$0xFFFFFFE0] =	vst v2  }
0x65: {  	v2 =	vld [tilespmem:s22+$0xFFFFFFF0]  }
0x66: {  	s24 =	sadd.s32 $0xFFFFFFC0, s23  }
0x67: {  	v3 =	vmov s24  }
0x68: {  	v3 =	vshll.u32 v3, $0xA  }
0x69: {  	v3 =	vor.u32 v1, v3  }
0x6a: {  	v2 =	vadd.s32 v3, v2  }
0x6b: {  	[tilespmem:s20+$0xFFFFFFF0] =	vst v2  }
0x6c: {  	v2 =	vld [tilespmem:s22+$0x0]  }
0x6d: {  	s24 =	sadd.s32 $0xFFFFFFD0, s23  }
0x6e: {  	v3 =	vmov s24  }
0x6f: {  	v3 =	vshll.u32 v3, $0xA  }
0x70: {  	v3 =	vor.u32 v1, v3  }
0x71: {  	v2 =	vadd.s32 v3, v2  }
0x72: {  	[tilespmem:s20+$0x0] =	vst v2  }
0x73: {  	v2 =	vld [tilespmem:s22+$0x10]  }
0x74: {  	s24 =	sadd.s32 $0xFFFFFFE0, s23  }
0x75: {  	v3 =	vmov s24  }
0x76: {  	v3 =	vshll.u32 v3, $0xA  }
0x77: {  	v3 =	vor.u32 v1, v3  }
0x78: {  	v2 =	vadd.s32 v3, v2  }
0x79: {  	[tilespmem:s20+$0x10] =	vst v2  }
0x7a: {  	v2 =	vld [tilespmem:s22+$0x20]  }
0x7b: {  	s24 =	sadd.s32 $0xFFFFFFF0, s23  }
0x7c: {  	v3 =	vmov s24  }
0x7d: {  	v3 =	vshll.u32 v3, $0xA  }
0x7e: {  	v3 =	vor.u32 v1, v3  }
0x7f: {  	v2 =	vadd.s32 v3, v2  }
0x80: {  	[tilespmem:s20+$0x20] =	vst v2  }
0x81: {  	v2 =	vld [tilespmem:s22+$0x30];
	_ =	sdelay $0x1  }
.Ltmp0:
0x82: {  	v3 =	vmov s23;
	(pc) =	sbr.rel @p0 .LBB2_2-.Ltmp0, $4  }
0x83: {  	v3 =	vshll.u32 v3, $0xA  }
0x84: {  	v3 =	vor.u32 v1, v3  }
0x85: {  	v2 =	vadd.s32 v3, v2  }
0x86: {  	s22 =	sadd.s32 $0x80, s22;
	[tilespmem:s20+$0x30] =	vst v2  }
0x87: {  	[hbm4b:s3+s8] =	stream.indirect.scatter [tilespmem:s10], [sflag:$0x1], $0x1, s9, s8, $0xb8;
	[tilespmem:$0x880] =	vst v63  }
0x88: {  	_ =	swait.ge [sflag:s11], $0x80  }
0x89: {  	[sflag:s11] =	ssyncset.done $0x0  }
0x8a: {  	[sflag:s11] =	ssyncadd.s32 $0xFFFFFF80  }
0x8b: {  	[hbm4b:s3+s8] =	stream.indirect.scatter [tilespmem:s10], [sflag:$0x1], $0x1, s12, s8, $0xb8;
	[tilespmem:$0x880] =	vst v63  }
0x8c: {  	_ =	swait.ge [sflag:s11], $0x80  }
0x8d: {  	[sflag:s11] =	ssyncset.done $0x0  }
0x8e: {  	[sflag:s11] =	ssyncadd.s32 $0xFFFFFF80  }
0x8f: {  	[hbm4b:s3+s8] =	stream.indirect.scatter [tilespmem:s10], [sflag:$0x1], $0x1, s13, s8, $0xb8;
	[tilespmem:$0x880] =	vst v63  }
0x90: {  	_ =	swait.ge [sflag:s11], $0x80  }
0x91: {  	[sflag:s11] =	ssyncset.done $0x0  }
0x92: {  	[sflag:s11] =	ssyncadd.s32 $0xFFFFFF80  }
0x93: {  	[hbm4b:s3+s8] =	stream.indirect.scatter [tilespmem:s10], [sflag:$0x1], $0x1, s14, s8, $0xb8;
	[tilespmem:$0x880] =	vst v63  }
0x94: {  	_ =	swait.ge [sflag:s11], $0x80  }
0x95: {  	[sflag:s11] =	ssyncset.done $0x0  }
0x96: {  	[sflag:s11] =	ssyncadd.s32 $0xFFFFFF80  }
0x97: {  	[hbm4b:s3+s8] =	stream.indirect.scatter [tilespmem:s10], [sflag:$0x1], $0x1, s15, s8, $0xb8;
	[tilespmem:$0x880] =	vst v63  }
0x98: {  	_ =	swait.ge [sflag:s11], $0x80  }
0x99: {  	[sflag:s11] =	ssyncset.done $0x0  }
0x9a: {  	[sflag:s11] =	ssyncadd.s32 $0xFFFFFF80  }
0x9b: {  	[hbm4b:s3+s8] =	stream.indirect.scatter [tilespmem:s10], [sflag:$0x1], $0x1, s16, s8, $0xb8;
	[tilespmem:$0x880] =	vst v63  }
0x9c: {  	_ =	swait.ge [sflag:s11], $0x80  }
0x9d: {  	[sflag:s11] =	ssyncset.done $0x0  }
0x9e: {  	[sflag:s11] =	ssyncadd.s32 $0xFFFFFF80  }
0x9f: {  	[hbm4b:s3+s8] =	stream.indirect.scatter [tilespmem:s10], [sflag:$0x1], $0x1, s17, s8, $0xb8;
	[tilespmem:$0x880] =	vst v63  }
0xa0: {  	s19 =	sadd.s32 $0x1, s19;
	_ =	swait.ge [sflag:s11], $0x80  }
0xa1: {  	p0 =	sne.s32 s19, s5;
	[sflag:s11] =	ssyncset.done $0x0  }
.Ltmp1:
0xa2: {  	[sflag:s11] =	ssyncadd.s32 $0xFFFFFF80;
	(pc) =	sbr.rel @p0 .LBB2_1-.Ltmp1, $4  }
0xa3: {  	[hbm4b:s3+s8] =	stream.indirect.scatter [tilespmem:s10], [sflag:$0x1], $0x1, s18, s8, $0xb8;
	[tilespmem:$0x880] =	vst v63  }
0xa4: {  	_ =	swait.ge [sflag:s11], $0x80  }
0xa5: {  	[sflag:s11] =	ssyncset.done $0x0  }
0xa6: {  	[sflag:s11] =	ssyncadd.s32 $0xFFFFFF80  }
0xa7: {  	_ =	sfence.sel $0x180000  }
0xa8: {  	[bflag:$0x0] =	sbarrier.arrive $0xFFFF  }
0xa9: {  	p0 =	sne.s32 s1, $0x0;
	_ =	strace $0x9000004A  }
0xaa: {  	s0 =	sadd.s32 @!p0 $0x100000, s0;
	[bflag:$0x2] =	sbarrier.arrive $0xFFFF  }
0xab: {  	[sflag:s0] =	ssyncadd.tile.s32 @!p0 $0x1;
	_ =	shalt  }
.Lfunc_end2:
_tile_overlayer_lowered:
.L_overlay_start_2:
0xac: {  	(tag) =	ssettag $0x2  }
0xad: {  	s0 =	rddreg [dreg:$0x0];
	s2 =	stileid.u32  }
0xae: {  	s1 =	rddreg [dreg:$0x1];
	p0 =	sne.s32 s2, $0x0  }
0xaf: {  	s3 =	rddreg [dreg:$0x2];
	[bflag:$0x3] =	sbarrier.arrive $0xFFFF;
	s2 =	simm.s32 @!p0 $0x1C02  }
0xb0: {  	[timem:s3], [sflag:s2] =	dma.local @!p0 [hbm:s0], s1  }
0xb1: {  	s0 =	simm.s32 @!p0 $0x2  }
0xb2: {  	_ =	swait.ge @!p0 [sflag:s0], s1  }
0xb3: {  	s1 =	ssub.s32 @!p0 $0x0, s1;
	[sflag:s0] =	ssyncset.done @!p0 $0x0  }
0xb4: {  	[sflag:s0] =	ssyncadd.s32 @!p0 s1  }
0xb5: {  	[bflag:$0x3] =	sbarrier.arrive $0xFFFF  }
0xb6: {  	_ =	shalt  }

</sc_bundles>
